<compile_context>
chip_gen: v7x
topology: tpu7x:2x2x1
jax: 0.10.2.dev20260603
libtpu: 0.0.44.dev20260713+nightly
codegen_flags: <defaults>
</compile_context>

<pallas_src>
import dataclasses
import functools

import jax
import jax.numpy as jnp
from jax import lax
from jax.experimental import pallas as pl
from jax.experimental.pallas import tpu as pltpu
from jax.experimental.pallas import tpu_sc as plsc

_B, _C, _H, _W = 8, 768, 24, 24
_HW = _H * _W
_E, _K, _P = 16, 2, 64
_NH, _HD = 4, 16
_LN_EPS = 1e-5
_NPIX = _B * _HW
_LANES = 16


_BPB = 4


def _dense_body(x_ref, protos_ref, ctx_w_ref, ctx_b_ref, conv_w_ref,
                conv_b_ref, in_w_ref, in_b_ref, out_w_ref, out_b_ref,
                ln_g_ref, ln_b_ref, rp_ref):
    f32 = jnp.float32
    protos = protos_ref[...]
    ctx_wt = ctx_w_ref[...]
    in_wt = in_w_ref[...]
    out_wt = out_w_ref[...]
    conv_w = conv_w_ref[...]
    inv_sqrt_hd = 1.0 / (_HD ** 0.5)

    xrs, pieces = [], []
    for bi in range(_BPB):
        xb = x_ref[bi]
        xrs.append(lax.dot_general(conv_w, xb, (((1,), (0,)), ((), ())),
                                   preferred_element_type=f32)
                   + conv_b_ref[...])
        gc = (jnp.sum(xb, axis=1) * (1.0 / _HW)).reshape(1, _C)
        cvec = lax.dot_general(gc, ctx_wt, (((1,), (0,)), ((), ())),
                               preferred_element_type=f32) + ctx_b_ref[...]
        pieces.append(cvec)
        pieces.append(protos)

    _L = 1 + _E
    _LL = _BPB * _L
    seq = jnp.concatenate(pieces, axis=0)
    qkv = lax.dot_general(seq, in_wt, (((1,), (0,)), ((), ())),
                          preferred_element_type=f32) + in_b_ref[...]
    bid_r = lax.broadcasted_iota(jnp.int32, (_LL, _LL), 0) // _L
    bid_c = lax.broadcasted_iota(jnp.int32, (_LL, _LL), 1) // _L
    same = bid_r == bid_c
    neg_inf = jnp.float32(-jnp.inf)

    heads = []
    for h in range(_NH):
        q_h = qkv[:, h * _HD:(h + 1) * _HD]
        k_h = qkv[:, _P + h * _HD:_P + (h + 1) * _HD]
        v_h = qkv[:, 2 * _P + h * _HD:2 * _P + (h + 1) * _HD]
        scores = lax.dot_general(q_h, k_h, (((1,), (1,)), ((), ())),
                                 preferred_element_type=f32) * inv_sqrt_hd
        scores = jnp.where(same, scores, neg_inf)
        m = jnp.max(scores, axis=-1, keepdims=True)
        e = jnp.exp(scores - m)
        attn = e / jnp.sum(e, axis=-1, keepdims=True)
        heads.append(lax.dot_general(attn, v_h, (((1,), (0,)), ((), ())),
                                     preferred_element_type=f32))
    o = jnp.concatenate(heads, axis=1)
    attn_out = lax.dot_general(o, out_wt, (((1,), (0,)), ((), ())),
                               preferred_element_type=f32) + out_b_ref[...]

    res = attn_out + seq
    mu = jnp.mean(res, axis=-1, keepdims=True)
    var = jnp.mean((res - mu) ** 2, axis=-1, keepdims=True)
    seq2 = ((res - mu) / jnp.sqrt(var + _LN_EPS) * ln_g_ref[...]
            + ln_b_ref[...])

    for bi in range(_BPB):
        updated = seq2[bi * _L + 1:(bi + 1) * _L, :]
        logits = lax.dot_general(updated, xrs[bi], (((1,), (0,)), ((), ())),
                                 preferred_element_type=f32) * (1.0 / (_P ** 0.5))
        m = jnp.max(logits, axis=0, keepdims=True)
        e = jnp.exp(logits - m)
        rp_ref[bi] = e / jnp.sum(e, axis=0, keepdims=True)


def _dense_call(x3, protos, ctx_w, ctx_b2, conv_w, conv_b2, in_w, in_b2,
                out_w, out_b2, ln_g2, ln_b2, interpret=False):
    full = lambda shape: pl.BlockSpec(shape, lambda b: (0,) * len(shape))
    return pl.pallas_call(
        _dense_body,
        grid=(_B // _BPB,),
        in_specs=[
            pl.BlockSpec((_BPB, _C, _HW), lambda b: (b, 0, 0)),
            full((_E, _P)),
            full((_C, _P)),
            full((1, _P)),
            full((_P, _C)),
            full((_P, 1)),
            full((_P, 3 * _P)),
            full((1, 3 * _P)),
            full((_P, _P)),
            full((1, _P)),
            full((1, _P)),
            full((1, _P)),
        ],
        out_specs=pl.BlockSpec((_BPB, _E, _HW), lambda b: (b, 0, 0)),
        out_shape=jax.ShapeDtypeStruct((_B, _E, _HW), jnp.float32),
        interpret=interpret,
    )(x3, protos, ctx_w, ctx_b2, conv_w, conv_b2, in_w, in_b2, out_w,
      out_b2, ln_g2, ln_b2)


def _route_call(rp):
    info = plsc.get_sparse_core_info()
    nw = info.num_cores * info.num_subcores
    wpb = nw // _B
    ppw = _HW // wpb
    mesh = plsc.VectorSubcoreMesh(core_axis_name="c", subcore_axis_name="s")
    cp = pltpu.CompilerParams()
    if "needs_layout_passes" in pltpu.CompilerParams.__dataclass_fields__:
        cp = dataclasses.replace(cp, needs_layout_passes=False)

    @functools.partial(
        pl.kernel,
        compiler_params=cp,
        out_type=(
            jax.ShapeDtypeStruct((_K * _NPIX,), jnp.float32),
            jax.ShapeDtypeStruct((_K * _NPIX,), jnp.int32),
        ),
        mesh=mesh,
        scratch_types=[
            pltpu.VMEM((_E * _HW,), jnp.float32),
            pltpu.VMEM((_K * ppw,), jnp.float32),
            pltpu.VMEM((_K * ppw,), jnp.int32),
        ],
    )
    def _route(rp_hbm, pout_hbm, iout_hbm, tile, pv, iv):
        wid = lax.axis_index("s") * info.num_cores + lax.axis_index("c")
        b = wid // wpb
        col0 = (wid % wpb) * ppw
        pltpu.sync_copy(rp_hbm.at[pl.ds(b * _E * _HW, _E * _HW)], tile)

        @pl.loop(0, ppw, step=_LANES)
        def _(j0):
            m1 = tile[pl.ds(col0 + j0, _LANES)]
            i1 = jnp.zeros((_LANES,), jnp.int32)
            m2 = jnp.full((_LANES,), -1.0, jnp.float32)
            i2 = jnp.zeros((_LANES,), jnp.int32)
            for e in range(1, _E):
                v = tile[pl.ds(e * _HW + col0 + j0, _LANES)]
                ev = jnp.full((_LANES,), e, jnp.int32)
                gt1 = v > m1
                gt2 = jnp.logical_and(v > m2, jnp.logical_not(gt1))
                i2 = jnp.where(gt1, i1, jnp.where(gt2, ev, i2))
                m2 = jnp.where(gt1, m1, jnp.where(gt2, v, m2))
                i1 = jnp.where(gt1, ev, i1)
                m1 = jnp.where(gt1, v, m1)
            denom = m1 + m2
            pv[pl.ds(j0, _LANES)] = m1 / denom
            pv[pl.ds(ppw + j0, _LANES)] = m2 / denom
            iv[pl.ds(j0, _LANES)] = i1
            iv[pl.ds(ppw + j0, _LANES)] = i2

        for k in range(_K):
            pltpu.sync_copy(
                pv.at[pl.ds(k * ppw, ppw)],
                pout_hbm.at[pl.ds((b * _K + k) * _HW + col0, ppw)])
            pltpu.sync_copy(
                iv.at[pl.ds(k * ppw, ppw)],
                iout_hbm.at[pl.ds((b * _K + k) * _HW + col0, ppw)])

    return _route(rp.reshape(_B * _E * _HW))


def kernel(x, prototypes, ctx_w, ctx_b, conv_w, conv_b, in_proj_w, in_proj_b,
           out_proj_w, out_proj_b, ln_g, ln_b):
    x3 = x.reshape(_B, _C, _HW)
    rp = _dense_call(
        x3, prototypes, ctx_w.T, ctx_b.reshape(1, _P), conv_w,
        conv_b.reshape(_P, 1), in_proj_w.T, in_proj_b.reshape(1, 3 * _P),
        out_proj_w.T, out_proj_b.reshape(1, _P), ln_g.reshape(1, _P),
        ln_b.reshape(1, _P))

    pout, iout = _route_call(rp)

    router_probs = rp.reshape(_B, _E, _H, _W)
    topk_probs = pout.reshape(_B, _K, _H, _W)
    topk_indices = iout.reshape(_B, _K, _H, _W)
    return (topk_probs, topk_indices, router_probs)

# --- scband reference (transcript-rebuilt; emitter-appended) ---
"""Pipeline reference for scband-interaction-aware-router-80118319939664 (READ-ONLY COPY).

The authoritative reference and input builder live on the scoring server;
editing this copy changes nothing except your own understanding.
"""

import jax, jax.numpy as jnp
import numpy as np

B, C, H, W = 8, 768, 24, 24
E, K, P = 16, 2, 64
NH, HD = 4, 16

def setup_inputs(seed: int = 0):
    key = jax.random.key(seed)
    ks = jax.random.split(key, 8)
    return {
        'x': jax.random.normal(ks[0], (B, C, H, W), jnp.float32),
        'prototypes': jax.random.normal(ks[1], (E, P), jnp.float32) / jnp.sqrt(P),
        'ctx_w': jax.random.normal(ks[2], (P, C), jnp.float32) * 0.02,
        'ctx_b': jnp.zeros((P,), jnp.float32),
        'conv_w': jax.random.normal(ks[3], (P, C), jnp.float32) * 0.02,
        'conv_b': jnp.zeros((P,), jnp.float32),
        'in_proj_w': jax.random.normal(ks[4], (3 * P, P), jnp.float32) * 0.1,
        'in_proj_b': jnp.zeros((3 * P,), jnp.float32),
        'out_proj_w': jax.random.normal(ks[5], (P, P), jnp.float32) * 0.1,
        'out_proj_b': jnp.zeros((P,), jnp.float32),
        'ln_g': jnp.ones((P,), jnp.float32),
        'ln_b': jnp.zeros((P,), jnp.float32),
    }

def _layernorm(t, g, b, eps=1e-5):
    mu = t.mean(axis=-1, keepdims=True)
    var = ((t - mu) ** 2).mean(axis=-1, keepdims=True)
    return (t - mu) / jnp.sqrt(var + eps) * g + b

def _mha(seq, in_w, in_b, out_w, out_b):
    Bq, L, _ = seq.shape
    qkv = seq @ in_w.T + in_b
    q, k, v = jnp.split(qkv, 3, axis=-1)
    def sh(t):
        return t.reshape(Bq, L, NH, HD).transpose(0, 2, 1, 3)
    q, k, v = sh(q), sh(k), sh(v)
    attn = jax.nn.softmax(q @ k.transpose(0, 1, 3, 2) / jnp.sqrt(float(HD)), axis=-1)
    o = (attn @ v).transpose(0, 2, 1, 3).reshape(Bq, L, P)
    return o @ out_w.T + out_b

def reference(x, prototypes, ctx_w, ctx_b, conv_w, conv_b, in_proj_w, in_proj_b, out_proj_w, out_proj_b, ln_g, ln_b):
    gc = x.mean(axis=(2, 3))
    gc = (gc @ ctx_w.T + ctx_b)[:, None, :]
    protos = jnp.broadcast_to(prototypes[None, :, :], (B, E, P))
    seq = jnp.concatenate([gc, protos], axis=1)
    attn_out = _mha(seq, in_proj_w, in_proj_b, out_proj_w, out_proj_b)
    seq2 = _layernorm(attn_out + seq, ln_g, ln_b)
    updated = seq2[:, 1:, :]
    xr = jnp.einsum('pc,bchw->bphw', conv_w, x) + conv_b[None, :, None, None]
    x_flat = xr.reshape(B, P, H * W).transpose(0, 2, 1)
    logits = x_flat @ updated.transpose(0, 2, 1)
    logits = logits.transpose(0, 2, 1).reshape(B, E, H, W) / jnp.sqrt(float(P))
    router_probs = jax.nn.softmax(logits, axis=1)
    pt = router_probs.transpose(0, 2, 3, 1)
    tv, ti = jax.lax.top_k(pt, K)
    tv = tv / tv.sum(axis=-1, keepdims=True)
    topk_probs = tv.transpose(0, 3, 1, 2)
    topk_indices = ti.transpose(0, 3, 1, 2)
    return (topk_probs, topk_indices, router_probs)

if __name__ == "__main__":
    import jax
    _d = setup_inputs()
    print(jax.jit(kernel)(*tuple(_d.values())))

</pallas_src>

<mosaic_0001>
#map = affine_map<(d0, d1) -> (0)>
module attributes {stable_mosaic.version = 14 : i64} {
  func.func @_route(%arg0: i32, %arg1: i32, %arg2: memref<73728xf32, #tpu.memory_space<hbm>>, %arg3: memref<9216xf32, #tpu.memory_space<hbm>>, %arg4: memref<9216xi32, #tpu.memory_space<hbm>>, %arg5: memref<9216xf32, #tpu.memory_space<vmem>>, %arg6: memref<288xf32, #tpu.memory_space<vmem>>, %arg7: memref<288xi32, #tpu.memory_space<vmem>>) attributes {dimension_semantics = [#tpu.dimension_semantics<core_parallel>, #tpu.dimension_semantics<subcore_parallel>], iteration_bounds = array<i64: 2, 16>, scalar_prefetch = 0 : i64, scratch_operands = 3 : i64, tpu.core_type = #tpu.core_type<sc_vector_subcore>, window_params = [{transform_indices = #map}, {transform_indices = #map}, {transform_indices = #map}]} {
    %mul3A = arith.constant 2 : i32
    %mul3A_0 = arith.muli %arg1, %mul3A : i32
    %add3A = arith.addi %mul3A_0, %arg0 : i32
    %jit3A = arith.constant 4 : i32
    %div3A = arith.divsi %add3A, %jit3A : i32
    %sign3A = arith.constant 0 : i32
    %sign3A_1 = arith.cmpi sgt, %add3A, %sign3A : i32
    %sign3A_2 = arith.extui %sign3A_1 : i1 to i32
    %sign3A_3 = arith.constant 0 : i32
    %sign3A_4 = arith.cmpi slt, %add3A, %sign3A_3 : i32
    %sign3A_5 = arith.extui %sign3A_4 : i1 to i32
    %sign3A_6 = arith.subi %sign3A_2, %sign3A_5 : i32
    %sign3A_7 = arith.constant 0 : i32
    %sign3A_8 = arith.cmpi sgt, %jit3A, %sign3A_7 : i32
    %sign3A_9 = arith.extui %sign3A_8 : i1 to i32
    %sign3A_10 = arith.constant 0 : i32
    %sign3A_11 = arith.cmpi slt, %jit3A, %sign3A_10 : i32
    %sign3A_12 = arith.extui %sign3A_11 : i1 to i32
    %sign3A_13 = arith.subi %sign3A_9, %sign3A_12 : i32
    %ne3A = arith.cmpi ne, %sign3A_6, %sign3A_13 : i32
    %rem3A = arith.remsi %add3A, %jit3A : i32
    %ne3A_14 = arith.constant 0 : i32
    %ne3A_15 = arith.cmpi ne, %rem3A, %ne3A_14 : i32
    %and3A = arith.andi %ne3A, %ne3A_15 : i1
    %sub3A = arith.constant 1 : i32
    %sub3A_16 = arith.subi %div3A, %sub3A : i32
    %select_n3A = arith.select %and3A, %sub3A_16, %div3A : i32
    %jit3A_17 = arith.constant 4 : i32
    %eq3A = arith.constant 0 : i32
    %eq3A_18 = arith.cmpi eq, %jit3A_17, %eq3A : i32
    %jit3A_19 = arith.constant 1 : i32
    %select_n3A_20 = arith.select %eq3A_18, %jit3A_19, %jit3A_17 : i32
    %rem3A_21 = arith.remsi %add3A, %select_n3A_20 : i32
    %ne3A_22 = arith.constant 0 : i32
    %ne3A_23 = arith.cmpi ne, %rem3A_21, %ne3A_22 : i32
    %lt3A = arith.constant 0 : i32
    %lt3A_24 = arith.cmpi slt, %rem3A_21, %lt3A : i32
    %lt3A_25 = arith.constant 0 : i32
    %lt3A_26 = arith.cmpi slt, %select_n3A_20, %lt3A_25 : i32
    %ne3A_27 = arith.xori %lt3A_24, %lt3A_26 : i1
    %and3A_28 = arith.andi %ne3A_27, %ne3A_23 : i1
    %add3A_29 = arith.addi %rem3A_21, %select_n3A_20 : i32
    %select_n3A_30 = arith.select %and3A_28, %add3A_29, %rem3A_21 : i32
    %mul3A_31 = arith.constant 144 : i32
    %mul3A_32 = arith.muli %select_n3A_30, %mul3A_31 : i32
    %mul3A_33 = arith.constant 16 : i32
    %mul3A_34 = arith.muli %select_n3A, %mul3A_33 : i32
    %mul3A_35 = arith.constant 576 : i32
    %mul3A_36 = arith.muli %mul3A_34, %mul3A_35 : i32
    "tpu.region"() ({
      %run_scoped3A = tpu.sem_alloc : memref<!tpu.dma_semaphore, #tpu.memory_space<semaphore_mem>>
      %dma_start3A = tpu.memref_slice %arg2[%mul3A_36] : memref<73728xf32, #tpu.memory_space<hbm>> -> memref<9216xf32, #tpu.memory_space<hbm>>
      %dma_start3A_69 = tpu.memref_slice %arg2[%mul3A_36] : memref<73728xf32, #tpu.memory_space<hbm>> -> memref<9216xf32, #tpu.memory_space<hbm>>
      tpu.enqueue_dma source(%dma_start3A_69 : memref<9216xf32, #tpu.memory_space<hbm>>) target(%arg5 : memref<9216xf32, #tpu.memory_space<vmem>>) target_semaphore(%run_scoped3A : memref<!tpu.dma_semaphore, #tpu.memory_space<semaphore_mem>>)
      %dma_wait3A = tpu.memref_slice %arg2[%mul3A_36] : memref<73728xf32, #tpu.memory_space<hbm>> -> memref<9216xf32, #tpu.memory_space<hbm>>
      %dma_wait3A_70 = tpu.memref_slice %arg2[%mul3A_36] : memref<73728xf32, #tpu.memory_space<hbm>> -> memref<9216xf32, #tpu.memory_space<hbm>>
      tpu.wait_dma2 semaphore(%run_scoped3A : memref<!tpu.dma_semaphore, #tpu.memory_space<semaphore_mem>>) src(%dma_wait3A_70 : memref<9216xf32, #tpu.memory_space<hbm>>) dst(%arg5 : memref<9216xf32, #tpu.memory_space<vmem>>)
      tpu.yield
    }) : () -> ()
    %scan3A = arith.constant 0 : i32
    %scan3A_37 = arith.constant 9 : i32
    %scan3A_38 = arith.addi %scan3A, %scan3A_37 : i32
    %scan3A_39 = arith.constant 1 : i32
    scf.for %scan3A_69 = %scan3A to %scan3A_38 step %scan3A_39  : i32 {
      %mul3A_70 = arith.constant 16 : i32
      %mul3A_71 = arith.muli %scan3A_69, %mul3A_70 : i32
      %add3A_72 = arith.constant 0 : i32
      %add3A_73 = arith.addi %add3A_72, %mul3A_71 : i32
      %add3A_74 = arith.addi %mul3A_32, %add3A_73 : i32
      %get3A = arith.index_cast %add3A_74 : i32 to index
      %get3A_75 = tpu.vector_load %arg5[%get3A] {strides = array<i32>} : memref<9216xf32, #tpu.memory_space<vmem>>, vector<16xf32>,
      %broadcast_in_dim3A = arith.constant 0 : i32
      %broadcast_in_dim3A_76 = vector.broadcast %broadcast_in_dim3A : i32 to vector<16xi32>
      %broadcast_in_dim3A_77 = arith.constant -1.000000e+00 : f32
      %broadcast_in_dim3A_78 = vector.broadcast %broadcast_in_dim3A_77 : f32 to vector<16xf32>
      %broadcast_in_dim3A_79 = arith.constant 0 : i32
      %broadcast_in_dim3A_80 = vector.broadcast %broadcast_in_dim3A_79 : i32 to vector<16xi32>
      %add3A_81 = arith.constant 576 : i32
      %add3A_82 = arith.addi %add3A_81, %mul3A_32 : i32
      %add3A_83 = arith.addi %add3A_82, %add3A_73 : i32
      %get3A_84 = arith.index_cast %add3A_83 : i32 to index
      %get3A_85 = tpu.vector_load %arg5[%get3A_84] {strides = array<i32>} : memref<9216xf32, #tpu.memory_space<vmem>>, vector<16xf32>,
      %broadcast_in_dim3A_86 = arith.constant 1 : i32
      %broadcast_in_dim3A_87 = vector.broadcast %broadcast_in_dim3A_86 : i32 to vector<16xi32>
      %gt3A = arith.cmpf ogt, %get3A_85, %get3A_75 : vector<16xf32>
      %gt3A_88 = arith.cmpf ogt, %get3A_85, %broadcast_in_dim3A_78 : vector<16xf32>
      %not3A = arith.constant dense<true> : vector<16xi1>
      %not3A_89 = arith.xori %gt3A, %not3A : vector<16xi1>
      %and3A_90 = arith.andi %gt3A_88, %not3A_89 : vector<16xi1>
      %select_n3A_91 = arith.select %and3A_90, %broadcast_in_dim3A_87, %broadcast_in_dim3A_80 : vector<16xi1>, vector<16xi32>
      %select_n3A_92 = arith.select %gt3A, %broadcast_in_dim3A_76, %select_n3A_91 : vector<16xi1>, vector<16xi32>
      %select_n3A_93 = arith.select %and3A_90, %get3A_85, %broadcast_in_dim3A_78 : vector<16xi1>, vector<16xf32>
      %select_n3A_94 = arith.select %gt3A, %get3A_75, %select_n3A_93 : vector<16xi1>, vector<16xf32>
      %select_n3A_95 = arith.select %gt3A, %broadcast_in_dim3A_87, %broadcast_in_dim3A_76 : vector<16xi1>, vector<16xi32>
      %select_n3A_96 = arith.select %gt3A, %get3A_85, %get3A_75 : vector<16xi1>, vector<16xf32>
      %add3A_97 = arith.constant 1152 : i32
      %add3A_98 = arith.addi %add3A_97, %mul3A_32 : i32
      %add3A_99 = arith.addi %add3A_98, %add3A_73 : i32
      %get3A_100 = arith.index_cast %add3A_99 : i32 to index
      %get3A_101 = tpu.vector_load %arg5[%get3A_100] {strides = array<i32>} : memref<9216xf32, #tpu.memory_space<vmem>>, vector<16xf32>,
      %broadcast_in_dim3A_102 = arith.constant 2 : i32
      %broadcast_in_dim3A_103 = vector.broadcast %broadcast_in_dim3A_102 : i32 to vector<16xi32>
      %gt3A_104 = arith.cmpf ogt, %get3A_101, %select_n3A_96 : vector<16xf32>
      %gt3A_105 = arith.cmpf ogt, %get3A_101, %select_n3A_94 : vector<16xf32>
      %not3A_106 = arith.constant dense<true> : vector<16xi1>
      %not3A_107 = arith.xori %gt3A_104, %not3A_106 : vector<16xi1>
      %and3A_108 = arith.andi %gt3A_105, %not3A_107 : vector<16xi1>
      %select_n3A_109 = arith.select %and3A_108, %broadcast_in_dim3A_103, %select_n3A_92 : vector<16xi1>, vector<16xi32>
      %select_n3A_110 = arith.select %gt3A_104, %select_n3A_95, %select_n3A_109 : vector<16xi1>, vector<16xi32>
      %select_n3A_111 = arith.select %and3A_108, %get3A_101, %select_n3A_94 : vector<16xi1>, vector<16xf32>
      %select_n3A_112 = arith.select %gt3A_104, %select_n3A_96, %select_n3A_111 : vector<16xi1>, vector<16xf32>
      %select_n3A_113 = arith.select %gt3A_104, %broadcast_in_dim3A_103, %select_n3A_95 : vector<16xi1>, vector<16xi32>
      %select_n3A_114 = arith.select %gt3A_104, %get3A_101, %select_n3A_96 : vector<16xi1>, vector<16xf32>
      %add3A_115 = arith.constant 1728 : i32
      %add3A_116 = arith.addi %add3A_115, %mul3A_32 : i32
      %add3A_117 = arith.addi %add3A_116, %add3A_73 : i32
      %get3A_118 = arith.index_cast %add3A_117 : i32 to index
      %get3A_119 = tpu.vector_load %arg5[%get3A_118] {strides = array<i32>} : memref<9216xf32, #tpu.memory_space<vmem>>, vector<16xf32>,
      %broadcast_in_dim3A_120 = arith.constant 3 : i32
      %broadcast_in_dim3A_121 = vector.broadcast %broadcast_in_dim3A_120 : i32 to vector<16xi32>
      %gt3A_122 = arith.cmpf ogt, %get3A_119, %select_n3A_114 : vector<16xf32>
      %gt3A_123 = arith.cmpf ogt, %get3A_119, %select_n3A_112 : vector<16xf32>
      %not3A_124 = arith.constant dense<true> : vector<16xi1>
      %not3A_125 = arith.xori %gt3A_122, %not3A_124 : vector<16xi1>
      %and3A_126 = arith.andi %gt3A_123, %not3A_125 : vector<16xi1>
      %select_n3A_127 = arith.select %and3A_126, %broadcast_in_dim3A_121, %select_n3A_110 : vector<16xi1>, vector<16xi32>
      %select_n3A_128 = arith.select %gt3A_122, %select_n3A_113, %select_n3A_127 : vector<16xi1>, vector<16xi32>
      %select_n3A_129 = arith.select %and3A_126, %get3A_119, %select_n3A_112 : vector<16xi1>, vector<16xf32>
      %select_n3A_130 = arith.select %gt3A_122, %select_n3A_114, %select_n3A_129 : vector<16xi1>, vector<16xf32>
      %select_n3A_131 = arith.select %gt3A_122, %broadcast_in_dim3A_121, %select_n3A_113 : vector<16xi1>, vector<16xi32>
      %select_n3A_132 = arith.select %gt3A_122, %get3A_119, %select_n3A_114 : vector<16xi1>, vector<16xf32>
      %add3A_133 = arith.constant 2304 : i32
      %add3A_134 = arith.addi %add3A_133, %mul3A_32 : i32
      %add3A_135 = arith.addi %add3A_134, %add3A_73 : i32
      %get3A_136 = arith.index_cast %add3A_135 : i32 to index
      %get3A_137 = tpu.vector_load %arg5[%get3A_136] {strides = array<i32>} : memref<9216xf32, #tpu.memory_space<vmem>>, vector<16xf32>,
      %broadcast_in_dim3A_138 = arith.constant 4 : i32
      %broadcast_in_dim3A_139 = vector.broadcast %broadcast_in_dim3A_138 : i32 to vector<16xi32>
      %gt3A_140 = arith.cmpf ogt, %get3A_137, %select_n3A_132 : vector<16xf32>
      %gt3A_141 = arith.cmpf ogt, %get3A_137, %select_n3A_130 : vector<16xf32>
      %not3A_142 = arith.constant dense<true> : vector<16xi1>
      %not3A_143 = arith.xori %gt3A_140, %not3A_142 : vector<16xi1>
      %and3A_144 = arith.andi %gt3A_141, %not3A_143 : vector<16xi1>
      %select_n3A_145 = arith.select %and3A_144, %broadcast_in_dim3A_139, %select_n3A_128 : vector<16xi1>, vector<16xi32>
      %select_n3A_146 = arith.select %gt3A_140, %select_n3A_131, %select_n3A_145 : vector<16xi1>, vector<16xi32>
      %select_n3A_147 = arith.select %and3A_144, %get3A_137, %select_n3A_130 : vector<16xi1>, vector<16xf32>
      %select_n3A_148 = arith.select %gt3A_140, %select_n3A_132, %select_n3A_147 : vector<16xi1>, vector<16xf32>
      %select_n3A_149 = arith.select %gt3A_140, %broadcast_in_dim3A_139, %select_n3A_131 : vector<16xi1>, vector<16xi32>
      %select_n3A_150 = arith.select %gt3A_140, %get3A_137, %select_n3A_132 : vector<16xi1>, vector<16xf32>
      %add3A_151 = arith.constant 2880 : i32
      %add3A_152 = arith.addi %add3A_151, %mul3A_32 : i32
      %add3A_153 = arith.addi %add3A_152, %add3A_73 : i32
      %get3A_154 = arith.index_cast %add3A_153 : i32 to index
      %get3A_155 = tpu.vector_load %arg5[%get3A_154] {strides = array<i32>} : memref<9216xf32, #tpu.memory_space<vmem>>, vector<16xf32>,
      %broadcast_in_dim3A_156 = arith.constant 5 : i32
      %broadcast_in_dim3A_157 = vector.broadcast %broadcast_in_dim3A_156 : i32 to vector<16xi32>
      %gt3A_158 = arith.cmpf ogt, %get3A_155, %select_n3A_150 : vector<16xf32>
      %gt3A_159 = arith.cmpf ogt, %get3A_155, %select_n3A_148 : vector<16xf32>
      %not3A_160 = arith.constant dense<true> : vector<16xi1>
      %not3A_161 = arith.xori %gt3A_158, %not3A_160 : vector<16xi1>
      %and3A_162 = arith.andi %gt3A_159, %not3A_161 : vector<16xi1>
      %select_n3A_163 = arith.select %and3A_162, %broadcast_in_dim3A_157, %select_n3A_146 : vector<16xi1>, vector<16xi32>
      %select_n3A_164 = arith.select %gt3A_158, %select_n3A_149, %select_n3A_163 : vector<16xi1>, vector<16xi32>
      %select_n3A_165 = arith.select %and3A_162, %get3A_155, %select_n3A_148 : vector<16xi1>, vector<16xf32>
      %select_n3A_166 = arith.select %gt3A_158, %select_n3A_150, %select_n3A_165 : vector<16xi1>, vector<16xf32>
      %select_n3A_167 = arith.select %gt3A_158, %broadcast_in_dim3A_157, %select_n3A_149 : vector<16xi1>, vector<16xi32>
      %select_n3A_168 = arith.select %gt3A_158, %get3A_155, %select_n3A_150 : vector<16xi1>, vector<16xf32>
      %add3A_169 = arith.constant 3456 : i32
      %add3A_170 = arith.addi %add3A_169, %mul3A_32 : i32
      %add3A_171 = arith.addi %add3A_170, %add3A_73 : i32
      %get3A_172 = arith.index_cast %add3A_171 : i32 to index
      %get3A_173 = tpu.vector_load %arg5[%get3A_172] {strides = array<i32>} : memref<9216xf32, #tpu.memory_space<vmem>>, vector<16xf32>,
      %broadcast_in_dim3A_174 = arith.constant 6 : i32
      %broadcast_in_dim3A_175 = vector.broadcast %broadcast_in_dim3A_174 : i32 to vector<16xi32>
      %gt3A_176 = arith.cmpf ogt, %get3A_173, %select_n3A_168 : vector<16xf32>
      %gt3A_177 = arith.cmpf ogt, %get3A_173, %select_n3A_166 : vector<16xf32>
      %not3A_178 = arith.constant dense<true> : vector<16xi1>
      %not3A_179 = arith.xori %gt3A_176, %not3A_178 : vector<16xi1>
      %and3A_180 = arith.andi %gt3A_177, %not3A_179 : vector<16xi1>
      %select_n3A_181 = arith.select %and3A_180, %broadcast_in_dim3A_175, %select_n3A_164 : vector<16xi1>, vector<16xi32>
      %select_n3A_182 = arith.select %gt3A_176, %select_n3A_167, %select_n3A_181 : vector<16xi1>, vector<16xi32>
      %select_n3A_183 = arith.select %and3A_180, %get3A_173, %select_n3A_166 : vector<16xi1>, vector<16xf32>
      %select_n3A_184 = arith.select %gt3A_176, %select_n3A_168, %select_n3A_183 : vector<16xi1>, vector<16xf32>
      %select_n3A_185 = arith.select %gt3A_176, %broadcast_in_dim3A_175, %select_n3A_167 : vector<16xi1>, vector<16xi32>
      %select_n3A_186 = arith.select %gt3A_176, %get3A_173, %select_n3A_168 : vector<16xi1>, vector<16xf32>
      %add3A_187 = arith.constant 4032 : i32
      %add3A_188 = arith.addi %add3A_187, %mul3A_32 : i32
      %add3A_189 = arith.addi %add3A_188, %add3A_73 : i32
      %get3A_190 = arith.index_cast %add3A_189 : i32 to index
      %get3A_191 = tpu.vector_load %arg5[%get3A_190] {strides = array<i32>} : memref<9216xf32, #tpu.memory_space<vmem>>, vector<16xf32>,
      %broadcast_in_dim3A_192 = arith.constant 7 : i32
      %broadcast_in_dim3A_193 = vector.broadcast %broadcast_in_dim3A_192 : i32 to vector<16xi32>
      %gt3A_194 = arith.cmpf ogt, %get3A_191, %select_n3A_186 : vector<16xf32>
      %gt3A_195 = arith.cmpf ogt, %get3A_191, %select_n3A_184 : vector<16xf32>
      %not3A_196 = arith.constant dense<true> : vector<16xi1>
      %not3A_197 = arith.xori %gt3A_194, %not3A_196 : vector<16xi1>
      %and3A_198 = arith.andi %gt3A_195, %not3A_197 : vector<16xi1>
      %select_n3A_199 = arith.select %and3A_198, %broadcast_in_dim3A_193, %select_n3A_182 : vector<16xi1>, vector<16xi32>
      %select_n3A_200 = arith.select %gt3A_194, %select_n3A_185, %select_n3A_199 : vector<16xi1>, vector<16xi32>
      %select_n3A_201 = arith.select %and3A_198, %get3A_191, %select_n3A_184 : vector<16xi1>, vector<16xf32>
      %select_n3A_202 = arith.select %gt3A_194, %select_n3A_186, %select_n3A_201 : vector<16xi1>, vector<16xf32>
      %select_n3A_203 = arith.select %gt3A_194, %broadcast_in_dim3A_193, %select_n3A_185 : vector<16xi1>, vector<16xi32>
      %select_n3A_204 = arith.select %gt3A_194, %get3A_191, %select_n3A_186 : vector<16xi1>, vector<16xf32>
      %add3A_205 = arith.constant 4608 : i32
      %add3A_206 = arith.addi %add3A_205, %mul3A_32 : i32
      %add3A_207 = arith.addi %add3A_206, %add3A_73 : i32
      %get3A_208 = arith.index_cast %add3A_207 : i32 to index
      %get3A_209 = tpu.vector_load %arg5[%get3A_208] {strides = array<i32>} : memref<9216xf32, #tpu.memory_space<vmem>>, vector<16xf32>,
      %broadcast_in_dim3A_210 = arith.constant 8 : i32
      %broadcast_in_dim3A_211 = vector.broadcast %broadcast_in_dim3A_210 : i32 to vector<16xi32>
      %gt3A_212 = arith.cmpf ogt, %get3A_209, %select_n3A_204 : vector<16xf32>
      %gt3A_213 = arith.cmpf ogt, %get3A_209, %select_n3A_202 : vector<16xf32>
      %not3A_214 = arith.constant dense<true> : vector<16xi1>
      %not3A_215 = arith.xori %gt3A_212, %not3A_214 : vector<16xi1>
      %and3A_216 = arith.andi %gt3A_213, %not3A_215 : vector<16xi1>
      %select_n3A_217 = arith.select %and3A_216, %broadcast_in_dim3A_211, %select_n3A_200 : vector<16xi1>, vector<16xi32>
      %select_n3A_218 = arith.select %gt3A_212, %select_n3A_203, %select_n3A_217 : vector<16xi1>, vector<16xi32>
      %select_n3A_219 = arith.select %and3A_216, %get3A_209, %select_n3A_202 : vector<16xi1>, vector<16xf32>
      %select_n3A_220 = arith.select %gt3A_212, %select_n3A_204, %select_n3A_219 : vector<16xi1>, vector<16xf32>
      %select_n3A_221 = arith.select %gt3A_212, %broadcast_in_dim3A_211, %select_n3A_203 : vector<16xi1>, vector<16xi32>
      %select_n3A_222 = arith.select %gt3A_212, %get3A_209, %select_n3A_204 : vector<16xi1>, vector<16xf32>
      %add3A_223 = arith.constant 5184 : i32
      %add3A_224 = arith.addi %add3A_223, %mul3A_32 : i32
      %add3A_225 = arith.addi %add3A_224, %add3A_73 : i32
      %get3A_226 = arith.index_cast %add3A_225 : i32 to index
      %get3A_227 = tpu.vector_load %arg5[%get3A_226] {strides = array<i32>} : memref<9216xf32, #tpu.memory_space<vmem>>, vector<16xf32>,
      %broadcast_in_dim3A_228 = arith.constant 9 : i32
      %broadcast_in_dim3A_229 = vector.broadcast %broadcast_in_dim3A_228 : i32 to vector<16xi32>
      %gt3A_230 = arith.cmpf ogt, %get3A_227, %select_n3A_222 : vector<16xf32>
      %gt3A_231 = arith.cmpf ogt, %get3A_227, %select_n3A_220 : vector<16xf32>
      %not3A_232 = arith.constant dense<true> : vector<16xi1>
      %not3A_233 = arith.xori %gt3A_230, %not3A_232 : vector<16xi1>
      %and3A_234 = arith.andi %gt3A_231, %not3A_233 : vector<16xi1>
      %select_n3A_235 = arith.select %and3A_234, %broadcast_in_dim3A_229, %select_n3A_218 : vector<16xi1>, vector<16xi32>
      %select_n3A_236 = arith.select %gt3A_230, %select_n3A_221, %select_n3A_235 : vector<16xi1>, vector<16xi32>
      %select_n3A_237 = arith.select %and3A_234, %get3A_227, %select_n3A_220 : vector<16xi1>, vector<16xf32>
      %select_n3A_238 = arith.select %gt3A_230, %select_n3A_222, %select_n3A_237 : vector<16xi1>, vector<16xf32>
      %select_n3A_239 = arith.select %gt3A_230, %broadcast_in_dim3A_229, %select_n3A_221 : vector<16xi1>, vector<16xi32>
      %select_n3A_240 = arith.select %gt3A_230, %get3A_227, %select_n3A_222 : vector<16xi1>, vector<16xf32>
      %add3A_241 = arith.constant 5760 : i32
      %add3A_242 = arith.addi %add3A_241, %mul3A_32 : i32
      %add3A_243 = arith.addi %add3A_242, %add3A_73 : i32
      %get3A_244 = arith.index_cast %add3A_243 : i32 to index
      %get3A_245 = tpu.vector_load %arg5[%get3A_244] {strides = array<i32>} : memref<9216xf32, #tpu.memory_space<vmem>>, vector<16xf32>,
      %broadcast_in_dim3A_246 = arith.constant 10 : i32
      %broadcast_in_dim3A_247 = vector.broadcast %broadcast_in_dim3A_246 : i32 to vector<16xi32>
      %gt3A_248 = arith.cmpf ogt, %get3A_245, %select_n3A_240 : vector<16xf32>
      %gt3A_249 = arith.cmpf ogt, %get3A_245, %select_n3A_238 : vector<16xf32>
      %not3A_250 = arith.constant dense<true> : vector<16xi1>
      %not3A_251 = arith.xori %gt3A_248, %not3A_250 : vector<16xi1>
      %and3A_252 = arith.andi %gt3A_249, %not3A_251 : vector<16xi1>
      %select_n3A_253 = arith.select %and3A_252, %broadcast_in_dim3A_247, %select_n3A_236 : vector<16xi1>, vector<16xi32>
      %select_n3A_254 = arith.select %gt3A_248, %select_n3A_239, %select_n3A_253 : vector<16xi1>, vector<16xi32>
      %select_n3A_255 = arith.select %and3A_252, %get3A_245, %select_n3A_238 : vector<16xi1>, vector<16xf32>
      %select_n3A_256 = arith.select %gt3A_248, %select_n3A_240, %select_n3A_255 : vector<16xi1>, vector<16xf32>
      %select_n3A_257 = arith.select %gt3A_248, %broadcast_in_dim3A_247, %select_n3A_239 : vector<16xi1>, vector<16xi32>
      %select_n3A_258 = arith.select %gt3A_248, %get3A_245, %select_n3A_240 : vector<16xi1>, vector<16xf32>
      %add3A_259 = arith.constant 6336 : i32
      %add3A_260 = arith.addi %add3A_259, %mul3A_32 : i32
      %add3A_261 = arith.addi %add3A_260, %add3A_73 : i32
      %get3A_262 = arith.index_cast %add3A_261 : i32 to index
      %get3A_263 = tpu.vector_load %arg5[%get3A_262] {strides = array<i32>} : memref<9216xf32, #tpu.memory_space<vmem>>, vector<16xf32>,
      %broadcast_in_dim3A_264 = arith.constant 11 : i32
      %broadcast_in_dim3A_265 = vector.broadcast %broadcast_in_dim3A_264 : i32 to vector<16xi32>
      %gt3A_266 = arith.cmpf ogt, %get3A_263, %select_n3A_258 : vector<16xf32>
      %gt3A_267 = arith.cmpf ogt, %get3A_263, %select_n3A_256 : vector<16xf32>
      %not3A_268 = arith.constant dense<true> : vector<16xi1>
      %not3A_269 = arith.xori %gt3A_266, %not3A_268 : vector<16xi1>
      %and3A_270 = arith.andi %gt3A_267, %not3A_269 : vector<16xi1>
      %select_n3A_271 = arith.select %and3A_270, %broadcast_in_dim3A_265, %select_n3A_254 : vector<16xi1>, vector<16xi32>
      %select_n3A_272 = arith.select %gt3A_266, %select_n3A_257, %select_n3A_271 : vector<16xi1>, vector<16xi32>
      %select_n3A_273 = arith.select %and3A_270, %get3A_263, %select_n3A_256 : vector<16xi1>, vector<16xf32>
      %select_n3A_274 = arith.select %gt3A_266, %select_n3A_258, %select_n3A_273 : vector<16xi1>, vector<16xf32>
      %select_n3A_275 = arith.select %gt3A_266, %broadcast_in_dim3A_265, %select_n3A_257 : vector<16xi1>, vector<16xi32>
      %select_n3A_276 = arith.select %gt3A_266, %get3A_263, %select_n3A_258 : vector<16xi1>, vector<16xf32>
      %add3A_277 = arith.constant 6912 : i32
      %add3A_278 = arith.addi %add3A_277, %mul3A_32 : i32
      %add3A_279 = arith.addi %add3A_278, %add3A_73 : i32
      %get3A_280 = arith.index_cast %add3A_279 : i32 to index
      %get3A_281 = tpu.vector_load %arg5[%get3A_280] {strides = array<i32>} : memref<9216xf32, #tpu.memory_space<vmem>>, vector<16xf32>,
      %broadcast_in_dim3A_282 = arith.constant 12 : i32
      %broadcast_in_dim3A_283 = vector.broadcast %broadcast_in_dim3A_282 : i32 to vector<16xi32>
      %gt3A_284 = arith.cmpf ogt, %get3A_281, %select_n3A_276 : vector<16xf32>
      %gt3A_285 = arith.cmpf ogt, %get3A_281, %select_n3A_274 : vector<16xf32>
      %not3A_286 = arith.constant dense<true> : vector<16xi1>
      %not3A_287 = arith.xori %gt3A_284, %not3A_286 : vector<16xi1>
      %and3A_288 = arith.andi %gt3A_285, %not3A_287 : vector<16xi1>
      %select_n3A_289 = arith.select %and3A_288, %broadcast_in_dim3A_283, %select_n3A_272 : vector<16xi1>, vector<16xi32>
      %select_n3A_290 = arith.select %gt3A_284, %select_n3A_275, %select_n3A_289 : vector<16xi1>, vector<16xi32>
      %select_n3A_291 = arith.select %and3A_288, %get3A_281, %select_n3A_274 : vector<16xi1>, vector<16xf32>
      %select_n3A_292 = arith.select %gt3A_284, %select_n3A_276, %select_n3A_291 : vector<16xi1>, vector<16xf32>
      %select_n3A_293 = arith.select %gt3A_284, %broadcast_in_dim3A_283, %select_n3A_275 : vector<16xi1>, vector<16xi32>
      %select_n3A_294 = arith.select %gt3A_284, %get3A_281, %select_n3A_276 : vector<16xi1>, vector<16xf32>
      %add3A_295 = arith.constant 7488 : i32
      %add3A_296 = arith.addi %add3A_295, %mul3A_32 : i32
      %add3A_297 = arith.addi %add3A_296, %add3A_73 : i32
      %get3A_298 = arith.index_cast %add3A_297 : i32 to index
      %get3A_299 = tpu.vector_load %arg5[%get3A_298] {strides = array<i32>} : memref<9216xf32, #tpu.memory_space<vmem>>, vector<16xf32>,
      %broadcast_in_dim3A_300 = arith.constant 13 : i32
      %broadcast_in_dim3A_301 = vector.broadcast %broadcast_in_dim3A_300 : i32 to vector<16xi32>
      %gt3A_302 = arith.cmpf ogt, %get3A_299, %select_n3A_294 : vector<16xf32>
      %gt3A_303 = arith.cmpf ogt, %get3A_299, %select_n3A_292 : vector<16xf32>
      %not3A_304 = arith.constant dense<true> : vector<16xi1>
      %not3A_305 = arith.xori %gt3A_302, %not3A_304 : vector<16xi1>
      %and3A_306 = arith.andi %gt3A_303, %not3A_305 : vector<16xi1>
      %select_n3A_307 = arith.select %and3A_306, %broadcast_in_dim3A_301, %select_n3A_290 : vector<16xi1>, vector<16xi32>
      %select_n3A_308 = arith.select %gt3A_302, %select_n3A_293, %select_n3A_307 : vector<16xi1>, vector<16xi32>
      %select_n3A_309 = arith.select %and3A_306, %get3A_299, %select_n3A_292 : vector<16xi1>, vector<16xf32>
      %select_n3A_310 = arith.select %gt3A_302, %select_n3A_294, %select_n3A_309 : vector<16xi1>, vector<16xf32>
      %select_n3A_311 = arith.select %gt3A_302, %broadcast_in_dim3A_301, %select_n3A_293 : vector<16xi1>, vector<16xi32>
      %select_n3A_312 = arith.select %gt3A_302, %get3A_299, %select_n3A_294 : vector<16xi1>, vector<16xf32>
      %add3A_313 = arith.constant 8064 : i32
      %add3A_314 = arith.addi %add3A_313, %mul3A_32 : i32
      %add3A_315 = arith.addi %add3A_314, %add3A_73 : i32
      %get3A_316 = arith.index_cast %add3A_315 : i32 to index
      %get3A_317 = tpu.vector_load %arg5[%get3A_316] {strides = array<i32>} : memref<9216xf32, #tpu.memory_space<vmem>>, vector<16xf32>,
      %broadcast_in_dim3A_318 = arith.constant 14 : i32
      %broadcast_in_dim3A_319 = vector.broadcast %broadcast_in_dim3A_318 : i32 to vector<16xi32>
      %gt3A_320 = arith.cmpf ogt, %get3A_317, %select_n3A_312 : vector<16xf32>
      %gt3A_321 = arith.cmpf ogt, %get3A_317, %select_n3A_310 : vector<16xf32>
      %not3A_322 = arith.constant dense<true> : vector<16xi1>
      %not3A_323 = arith.xori %gt3A_320, %not3A_322 : vector<16xi1>
      %and3A_324 = arith.andi %gt3A_321, %not3A_323 : vector<16xi1>
      %select_n3A_325 = arith.select %and3A_324, %broadcast_in_dim3A_319, %select_n3A_308 : vector<16xi1>, vector<16xi32>
      %select_n3A_326 = arith.select %gt3A_320, %select_n3A_311, %select_n3A_325 : vector<16xi1>, vector<16xi32>
      %select_n3A_327 = arith.select %and3A_324, %get3A_317, %select_n3A_310 : vector<16xi1>, vector<16xf32>
      %select_n3A_328 = arith.select %gt3A_320, %select_n3A_312, %select_n3A_327 : vector<16xi1>, vector<16xf32>
      %select_n3A_329 = arith.select %gt3A_320, %broadcast_in_dim3A_319, %select_n3A_311 : vector<16xi1>, vector<16xi32>
      %select_n3A_330 = arith.select %gt3A_320, %get3A_317, %select_n3A_312 : vector<16xi1>, vector<16xf32>
      %add3A_331 = arith.constant 8640 : i32
      %add3A_332 = arith.addi %add3A_331, %mul3A_32 : i32
      %add3A_333 = arith.addi %add3A_332, %add3A_73 : i32
      %get3A_334 = arith.index_cast %add3A_333 : i32 to index
      %get3A_335 = tpu.vector_load %arg5[%get3A_334] {strides = array<i32>} : memref<9216xf32, #tpu.memory_space<vmem>>, vector<16xf32>,
      %broadcast_in_dim3A_336 = arith.constant 15 : i32
      %broadcast_in_dim3A_337 = vector.broadcast %broadcast_in_dim3A_336 : i32 to vector<16xi32>
      %gt3A_338 = arith.cmpf ogt, %get3A_335, %select_n3A_330 : vector<16xf32>
      %gt3A_339 = arith.cmpf ogt, %get3A_335, %select_n3A_328 : vector<16xf32>
      %not3A_340 = arith.constant dense<true> : vector<16xi1>
      %not3A_341 = arith.xori %gt3A_338, %not3A_340 : vector<16xi1>
      %and3A_342 = arith.andi %gt3A_339, %not3A_341 : vector<16xi1>
      %select_n3A_343 = arith.select %and3A_342, %broadcast_in_dim3A_337, %select_n3A_326 : vector<16xi1>, vector<16xi32>
      %select_n3A_344 = arith.select %gt3A_338, %select_n3A_329, %select_n3A_343 : vector<16xi1>, vector<16xi32>
      %select_n3A_345 = arith.select %and3A_342, %get3A_335, %select_n3A_328 : vector<16xi1>, vector<16xf32>
      %select_n3A_346 = arith.select %gt3A_338, %select_n3A_330, %select_n3A_345 : vector<16xi1>, vector<16xf32>
      %select_n3A_347 = arith.select %gt3A_338, %broadcast_in_dim3A_337, %select_n3A_329 : vector<16xi1>, vector<16xi32>
      %select_n3A_348 = arith.select %gt3A_338, %get3A_335, %select_n3A_330 : vector<16xi1>, vector<16xf32>
      %add3A_349 = arith.addf %select_n3A_348, %select_n3A_346 : vector<16xf32>
      %div3A_350 = arith.divf %select_n3A_348, %add3A_349 : vector<16xf32>
      %swap3A = arith.index_cast %add3A_73 : i32 to index
      %swap3A_351 = tpu.vector_load %arg6[%swap3A] {strides = array<i32>} : memref<288xf32, #tpu.memory_space<vmem>>, vector<16xf32>,
      tpu.vector_store %arg6[%swap3A], %div3A_350 {strides = array<i32>} : memref<288xf32, #tpu.memory_space<vmem>>, vector<16xf32>,
      %div3A_352 = arith.divf %select_n3A_346, %add3A_349 : vector<16xf32>
      %add3A_353 = arith.constant 144 : i32
      %add3A_354 = arith.addi %add3A_353, %add3A_73 : i32
      %swap3A_355 = arith.index_cast %add3A_354 : i32 to index
      %swap3A_356 = tpu.vector_load %arg6[%swap3A_355] {strides = array<i32>} : memref<288xf32, #tpu.memory_space<vmem>>, vector<16xf32>,
      tpu.vector_store %arg6[%swap3A_355], %div3A_352 {strides = array<i32>} : memref<288xf32, #tpu.memory_space<vmem>>, vector<16xf32>,
      %swap3A_357 = arith.index_cast %add3A_73 : i32 to index
      %swap3A_358 = tpu.vector_load %arg7[%swap3A_357] {strides = array<i32>} : memref<288xi32, #tpu.memory_space<vmem>>, vector<16xi32>,
      tpu.vector_store %arg7[%swap3A_357], %select_n3A_347 {strides = array<i32>} : memref<288xi32, #tpu.memory_space<vmem>>, vector<16xi32>,
      %add3A_359 = arith.constant 144 : i32
      %add3A_360 = arith.addi %add3A_359, %add3A_73 : i32
      %swap3A_361 = arith.index_cast %add3A_360 : i32 to index
      %swap3A_362 = tpu.vector_load %arg7[%swap3A_361] {strides = array<i32>} : memref<288xi32, #tpu.memory_space<vmem>>, vector<16xi32>,
      tpu.vector_store %arg7[%swap3A_361], %select_n3A_344 {strides = array<i32>} : memref<288xi32, #tpu.memory_space<vmem>>, vector<16xi32>,
    }
    %scan3A_40 = arith.constant 9 : i32
    %mul3A_41 = arith.constant 2 : i32
    %mul3A_42 = arith.muli %select_n3A, %mul3A_41 : i32
    %add3A_43 = arith.constant 0 : i32
    %add3A_44 = arith.addi %mul3A_42, %add3A_43 : i32
    %mul3A_45 = arith.constant 576 : i32
    %mul3A_46 = arith.muli %add3A_44, %mul3A_45 : i32
    %add3A_47 = arith.addi %mul3A_46, %mul3A_32 : i32
    "tpu.region"() ({
      %run_scoped3A = tpu.sem_alloc : memref<!tpu.dma_semaphore, #tpu.memory_space<semaphore_mem>>
      %dma_start3A = arith.constant 0 : i32
      %dma_start3A_69 = tpu.memref_slice %arg6[%dma_start3A] : memref<288xf32, #tpu.memory_space<vmem>> -> memref<144xf32, #tpu.memory_space<vmem>>
      %dma_start3A_70 = tpu.memref_slice %arg3[%add3A_47] : memref<9216xf32, #tpu.memory_space<hbm>> -> memref<144xf32, #tpu.memory_space<hbm>>
      %dma_start3A_71 = tpu.memref_slice %arg3[%add3A_47] : memref<9216xf32, #tpu.memory_space<hbm>> -> memref<144xf32, #tpu.memory_space<hbm>>
      %dma_start3A_72 = arith.constant 0 : i32
      %dma_start3A_73 = tpu.memref_slice %arg6[%dma_start3A_72] : memref<288xf32, #tpu.memory_space<vmem>> -> memref<144xf32, #tpu.memory_space<vmem>>
      tpu.enqueue_dma source(%dma_start3A_73 : memref<144xf32, #tpu.memory_space<vmem>>) target(%dma_start3A_71 : memref<144xf32, #tpu.memory_space<hbm>>) target_semaphore(%run_scoped3A : memref<!tpu.dma_semaphore, #tpu.memory_space<semaphore_mem>>)
      %dma_wait3A = arith.constant 0 : i32
      %dma_wait3A_74 = tpu.memref_slice %arg6[%dma_wait3A] : memref<288xf32, #tpu.memory_space<vmem>> -> memref<144xf32, #tpu.memory_space<vmem>>
      %dma_wait3A_75 = tpu.memref_slice %arg3[%add3A_47] : memref<9216xf32, #tpu.memory_space<hbm>> -> memref<144xf32, #tpu.memory_space<hbm>>
      %dma_wait3A_76 = tpu.memref_slice %arg3[%add3A_47] : memref<9216xf32, #tpu.memory_space<hbm>> -> memref<144xf32, #tpu.memory_space<hbm>>
      %dma_wait3A_77 = arith.constant 0 : i32
      %dma_wait3A_78 = tpu.memref_slice %arg6[%dma_wait3A_77] : memref<288xf32, #tpu.memory_space<vmem>> -> memref<144xf32, #tpu.memory_space<vmem>>
      tpu.wait_dma2 semaphore(%run_scoped3A : memref<!tpu.dma_semaphore, #tpu.memory_space<semaphore_mem>>) src(%dma_wait3A_78 : memref<144xf32, #tpu.memory_space<vmem>>) dst(%dma_wait3A_76 : memref<144xf32, #tpu.memory_space<hbm>>)
      tpu.yield
    }) : () -> ()
    %mul3A_48 = arith.constant 2 : i32
    %mul3A_49 = arith.muli %select_n3A, %mul3A_48 : i32
    %add3A_50 = arith.constant 0 : i32
    %add3A_51 = arith.addi %mul3A_49, %add3A_50 : i32
    %mul3A_52 = arith.constant 576 : i32
    %mul3A_53 = arith.muli %add3A_51, %mul3A_52 : i32
    %add3A_54 = arith.addi %mul3A_53, %mul3A_32 : i32
    "tpu.region"() ({
      %run_scoped3A = tpu.sem_alloc : memref<!tpu.dma_semaphore, #tpu.memory_space<semaphore_mem>>
      %dma_start3A = arith.constant 0 : i32
      %dma_start3A_69 = tpu.memref_slice %arg7[%dma_start3A] : memref<288xi32, #tpu.memory_space<vmem>> -> memref<144xi32, #tpu.memory_space<vmem>>
      %dma_start3A_70 = tpu.memref_slice %arg4[%add3A_54] : memref<9216xi32, #tpu.memory_space<hbm>> -> memref<144xi32, #tpu.memory_space<hbm>>
      %dma_start3A_71 = tpu.memref_slice %arg4[%add3A_54] : memref<9216xi32, #tpu.memory_space<hbm>> -> memref<144xi32, #tpu.memory_space<hbm>>
      %dma_start3A_72 = arith.constant 0 : i32
      %dma_start3A_73 = tpu.memref_slice %arg7[%dma_start3A_72] : memref<288xi32, #tpu.memory_space<vmem>> -> memref<144xi32, #tpu.memory_space<vmem>>
      tpu.enqueue_dma source(%dma_start3A_73 : memref<144xi32, #tpu.memory_space<vmem>>) target(%dma_start3A_71 : memref<144xi32, #tpu.memory_space<hbm>>) target_semaphore(%run_scoped3A : memref<!tpu.dma_semaphore, #tpu.memory_space<semaphore_mem>>)
      %dma_wait3A = arith.constant 0 : i32
      %dma_wait3A_74 = tpu.memref_slice %arg7[%dma_wait3A] : memref<288xi32, #tpu.memory_space<vmem>> -> memref<144xi32, #tpu.memory_space<vmem>>
      %dma_wait3A_75 = tpu.memref_slice %arg4[%add3A_54] : memref<9216xi32, #tpu.memory_space<hbm>> -> memref<144xi32, #tpu.memory_space<hbm>>
      %dma_wait3A_76 = tpu.memref_slice %arg4[%add3A_54] : memref<9216xi32, #tpu.memory_space<hbm>> -> memref<144xi32, #tpu.memory_space<hbm>>
      %dma_wait3A_77 = arith.constant 0 : i32
      %dma_wait3A_78 = tpu.memref_slice %arg7[%dma_wait3A_77] : memref<288xi32, #tpu.memory_space<vmem>> -> memref<144xi32, #tpu.memory_space<vmem>>
      tpu.wait_dma2 semaphore(%run_scoped3A : memref<!tpu.dma_semaphore, #tpu.memory_space<semaphore_mem>>) src(%dma_wait3A_78 : memref<144xi32, #tpu.memory_space<vmem>>) dst(%dma_wait3A_76 : memref<144xi32, #tpu.memory_space<hbm>>)
      tpu.yield
    }) : () -> ()
    %mul3A_55 = arith.constant 2 : i32
    %mul3A_56 = arith.muli %select_n3A, %mul3A_55 : i32
    %add3A_57 = arith.constant 1 : i32
    %add3A_58 = arith.addi %mul3A_56, %add3A_57 : i32
    %mul3A_59 = arith.constant 576 : i32
    %mul3A_60 = arith.muli %add3A_58, %mul3A_59 : i32
    %add3A_61 = arith.addi %mul3A_60, %mul3A_32 : i32
    "tpu.region"() ({
      %run_scoped3A = tpu.sem_alloc : memref<!tpu.dma_semaphore, #tpu.memory_space<semaphore_mem>>
      %dma_start3A = arith.constant 144 : i32
      %dma_start3A_69 = tpu.memref_slice %arg6[%dma_start3A] : memref<288xf32, #tpu.memory_space<vmem>> -> memref<144xf32, #tpu.memory_space<vmem>>
      %dma_start3A_70 = tpu.memref_slice %arg3[%add3A_61] : memref<9216xf32, #tpu.memory_space<hbm>> -> memref<144xf32, #tpu.memory_space<hbm>>
      %dma_start3A_71 = tpu.memref_slice %arg3[%add3A_61] : memref<9216xf32, #tpu.memory_space<hbm>> -> memref<144xf32, #tpu.memory_space<hbm>>
      %dma_start3A_72 = arith.constant 144 : i32
      %dma_start3A_73 = tpu.memref_slice %arg6[%dma_start3A_72] : memref<288xf32, #tpu.memory_space<vmem>> -> memref<144xf32, #tpu.memory_space<vmem>>
      tpu.enqueue_dma source(%dma_start3A_73 : memref<144xf32, #tpu.memory_space<vmem>>) target(%dma_start3A_71 : memref<144xf32, #tpu.memory_space<hbm>>) target_semaphore(%run_scoped3A : memref<!tpu.dma_semaphore, #tpu.memory_space<semaphore_mem>>)
      %dma_wait3A = arith.constant 144 : i32
      %dma_wait3A_74 = tpu.memref_slice %arg6[%dma_wait3A] : memref<288xf32, #tpu.memory_space<vmem>> -> memref<144xf32, #tpu.memory_space<vmem>>
      %dma_wait3A_75 = tpu.memref_slice %arg3[%add3A_61] : memref<9216xf32, #tpu.memory_space<hbm>> -> memref<144xf32, #tpu.memory_space<hbm>>
      %dma_wait3A_76 = tpu.memref_slice %arg3[%add3A_61] : memref<9216xf32, #tpu.memory_space<hbm>> -> memref<144xf32, #tpu.memory_space<hbm>>
      %dma_wait3A_77 = arith.constant 144 : i32
      %dma_wait3A_78 = tpu.memref_slice %arg6[%dma_wait3A_77] : memref<288xf32, #tpu.memory_space<vmem>> -> memref<144xf32, #tpu.memory_space<vmem>>
      tpu.wait_dma2 semaphore(%run_scoped3A : memref<!tpu.dma_semaphore, #tpu.memory_space<semaphore_mem>>) src(%dma_wait3A_78 : memref<144xf32, #tpu.memory_space<vmem>>) dst(%dma_wait3A_76 : memref<144xf32, #tpu.memory_space<hbm>>)
      tpu.yield
    }) : () -> ()
    %mul3A_62 = arith.constant 2 : i32
    %mul3A_63 = arith.muli %select_n3A, %mul3A_62 : i32
    %add3A_64 = arith.constant 1 : i32
    %add3A_65 = arith.addi %mul3A_63, %add3A_64 : i32
    %mul3A_66 = arith.constant 576 : i32
    %mul3A_67 = arith.muli %add3A_65, %mul3A_66 : i32
    %add3A_68 = arith.addi %mul3A_67, %mul3A_32 : i32
    "tpu.region"() ({
      %run_scoped3A = tpu.sem_alloc : memref<!tpu.dma_semaphore, #tpu.memory_space<semaphore_mem>>
      %dma_start3A = arith.constant 144 : i32
      %dma_start3A_69 = tpu.memref_slice %arg7[%dma_start3A] : memref<288xi32, #tpu.memory_space<vmem>> -> memref<144xi32, #tpu.memory_space<vmem>>
      %dma_start3A_70 = tpu.memref_slice %arg4[%add3A_68] : memref<9216xi32, #tpu.memory_space<hbm>> -> memref<144xi32, #tpu.memory_space<hbm>>
      %dma_start3A_71 = tpu.memref_slice %arg4[%add3A_68] : memref<9216xi32, #tpu.memory_space<hbm>> -> memref<144xi32, #tpu.memory_space<hbm>>
      %dma_start3A_72 = arith.constant 144 : i32
      %dma_start3A_73 = tpu.memref_slice %arg7[%dma_start3A_72] : memref<288xi32, #tpu.memory_space<vmem>> -> memref<144xi32, #tpu.memory_space<vmem>>
      tpu.enqueue_dma source(%dma_start3A_73 : memref<144xi32, #tpu.memory_space<vmem>>) target(%dma_start3A_71 : memref<144xi32, #tpu.memory_space<hbm>>) target_semaphore(%run_scoped3A : memref<!tpu.dma_semaphore, #tpu.memory_space<semaphore_mem>>)
      %dma_wait3A = arith.constant 144 : i32
      %dma_wait3A_74 = tpu.memref_slice %arg7[%dma_wait3A] : memref<288xi32, #tpu.memory_space<vmem>> -> memref<144xi32, #tpu.memory_space<vmem>>
      %dma_wait3A_75 = tpu.memref_slice %arg4[%add3A_68] : memref<9216xi32, #tpu.memory_space<hbm>> -> memref<144xi32, #tpu.memory_space<hbm>>
      %dma_wait3A_76 = tpu.memref_slice %arg4[%add3A_68] : memref<9216xi32, #tpu.memory_space<hbm>> -> memref<144xi32, #tpu.memory_space<hbm>>
      %dma_wait3A_77 = arith.constant 144 : i32
      %dma_wait3A_78 = tpu.memref_slice %arg7[%dma_wait3A_77] : memref<288xi32, #tpu.memory_space<vmem>> -> memref<144xi32, #tpu.memory_space<vmem>>
      tpu.wait_dma2 semaphore(%run_scoped3A : memref<!tpu.dma_semaphore, #tpu.memory_space<semaphore_mem>>) src(%dma_wait3A_78 : memref<144xi32, #tpu.memory_space<vmem>>) dst(%dma_wait3A_76 : memref<144xi32, #tpu.memory_space<hbm>>)
      tpu.yield
    }) : () -> ()
    return
  }
}

module attributes {stable_mosaic.version = 14 : i64} {
  func.func @_dense_body(%arg0: i32, %arg1: memref<4x768x576xf32, #tpu.memory_space<vmem>>, %arg2: memref<16x64xf32, #tpu.memory_space<vmem>>, %arg3: memref<768x64xf32, #tpu.memory_space<vmem>>, %arg4: memref<1x64xf32, #tpu.memory_space<vmem>>, %arg5: memref<64x768xf32, #tpu.memory_space<vmem>>, %arg6: memref<64x1xf32, #tpu.memory_space<vmem>>, %arg7: memref<64x192xf32, #tpu.memory_space<vmem>>, %arg8: memref<1x192xf32, #tpu.memory_space<vmem>>, %arg9: memref<64x64xf32, #tpu.memory_space<vmem>>, %arg10: memref<1x64xf32, #tpu.memory_space<vmem>>, %arg11: memref<1x64xf32, #tpu.memory_space<vmem>>, %arg12: memref<1x64xf32, #tpu.memory_space<vmem>>, %arg13: memref<4x16x576xf32, #tpu.memory_space<vmem>>) attributes {dimension_semantics = [#tpu.dimension_semantics<arbitrary>], iteration_bounds = array<i64: 2>, scalar_prefetch = 0 : i64, scratch_operands = 0 : i64, tpu.core_type = #tpu.core_type<tc>, window_params = [{transform_indices = @transform_0, window_bounds = array<i64: 4, 768, 576>}, {pipeline_mode = #tpu.pipeline_mode<synchronous>, transform_indices = @transform_1, window_bounds = array<i64: 16, 64>}, {pipeline_mode = #tpu.pipeline_mode<synchronous>, transform_indices = @transform_2, window_bounds = array<i64: 768, 64>}, {pipeline_mode = #tpu.pipeline_mode<synchronous>, transform_indices = @transform_3, window_bounds = array<i64: 1, 64>}, {pipeline_mode = #tpu.pipeline_mode<synchronous>, transform_indices = @transform_4, window_bounds = array<i64: 64, 768>}, {pipeline_mode = #tpu.pipeline_mode<synchronous>, transform_indices = @transform_5, window_bounds = array<i64: 64, 1>}, {pipeline_mode = #tpu.pipeline_mode<synchronous>, transform_indices = @transform_6, window_bounds = array<i64: 64, 192>}, {pipeline_mode = #tpu.pipeline_mode<synchronous>, transform_indices = @transform_7, window_bounds = array<i64: 1, 192>}, {pipeline_mode = #tpu.pipeline_mode<synchronous>, transform_indices = @transform_8, window_bounds = array<i64: 64, 64>}, {pipeline_mode = #tpu.pipeline_mode<synchronous>, transform_indices = @transform_9, window_bounds = array<i64: 1, 64>}, {pipeline_mode = #tpu.pipeline_mode<synchronous>, transform_indices = @transform_10, window_bounds = array<i64: 1, 64>}, {pipeline_mode = #tpu.pipeline_mode<synchronous>, transform_indices = @transform_11, window_bounds = array<i64: 1, 64>}, {transform_indices = @transform_12, window_bounds = array<i64: 4, 16, 576>}]} {
    %get3A = arith.constant 0 : index
    %get3A_0 = arith.constant 0 : index
    %get3A_1 = vector.load %arg2[%get3A, %get3A_0] : memref<16x64xf32, #tpu.memory_space<vmem>>, vector<16x64xf32>
    %get3A_2 = arith.constant 0 : index
    %get3A_3 = arith.constant 0 : index
    %get3A_4 = vector.load %arg3[%get3A_2, %get3A_3] : memref<768x64xf32, #tpu.memory_space<vmem>>, vector<768x64xf32>
    %get3A_5 = arith.constant 0 : index
    %get3A_6 = arith.constant 0 : index
    %get3A_7 = vector.load %arg7[%get3A_5, %get3A_6] : memref<64x192xf32, #tpu.memory_space<vmem>>, vector<64x192xf32>
    %get3A_8 = arith.constant 0 : index
    %get3A_9 = arith.constant 0 : index
    %get3A_10 = vector.load %arg9[%get3A_8, %get3A_9] : memref<64x64xf32, #tpu.memory_space<vmem>>, vector<64x64xf32>
    %get3A_11 = arith.constant 0 : index
    %get3A_12 = arith.constant 0 : index
    %get3A_13 = vector.load %arg5[%get3A_11, %get3A_12] : memref<64x768xf32, #tpu.memory_space<vmem>>, vector<64x768xf32>
    %get3A_14 = arith.constant 0 : index
    %get3A_15 = arith.constant 0 : index
    %get3A_16 = arith.constant 0 : index
    %get3A_17 = vector.load %arg1[%get3A_14, %get3A_15, %get3A_16] : memref<4x768x576xf32, #tpu.memory_space<vmem>>, vector<1x768x576xf32>
    %get3A_18 = vector.shape_cast %get3A_17 : vector<1x768x576xf32> to vector<768x576xf32>
    %dot_general3A = arith.constant dense<0.000000e+00> : vector<64x576xf32>
    %dot_general3A_19 = tpu.matmul %get3A_13, %get3A_18, %dot_general3A {dimension_numbers = #tpu.dot_dimension_numbers<[1], [0], [0], [1], [0, 0, 1, 1], [], []>, transpose_lhs_hint = false} : vector<64x768xf32>, vector<768x576xf32>, vector<64x576xf32> -> vector<64x576xf32>
    %get3A_20 = arith.constant 0 : index
    %get3A_21 = arith.constant 0 : index
    %get3A_22 = vector.load %arg6[%get3A_20, %get3A_21] : memref<64x1xf32, #tpu.memory_space<vmem>>, vector<64x1xf32>
    %add3A = vector.broadcast %get3A_22 : vector<64x1xf32> to vector<64x576xf32>
    %add3A_23 = arith.addf %dot_general3A_19, %add3A : vector<64x576xf32>
    %reduce_sum3A = arith.constant dense<0.000000e+00> : vector<768xf32>
    %reduce_sum3A_24 = vector.multi_reduction <add>, %get3A_18, %reduce_sum3A [1] : vector<768x576xf32> to vector<768xf32>
    %mul3A = arith.constant 0.00173611112 : f32
    %mul3A_25 = vector.broadcast %mul3A : f32 to vector<768xf32>
    %mul3A_26 = arith.mulf %reduce_sum3A_24, %mul3A_25 : vector<768xf32>
    %reshape3A = vector.shape_cast %mul3A_26 : vector<768xf32> to vector<1x768xf32>
    %dot_general3A_27 = arith.constant dense<0.000000e+00> : vector<1x64xf32>
    %dot_general3A_28 = tpu.matmul %reshape3A, %get3A_4, %dot_general3A_27 {dimension_numbers = #tpu.dot_dimension_numbers<[1], [0], [0], [1], [0, 0, 1, 1], [], []>, transpose_lhs_hint = false} : vector<1x768xf32>, vector<768x64xf32>, vector<1x64xf32> -> vector<1x64xf32>
    %get3A_29 = arith.constant 0 : index
    %get3A_30 = arith.constant 0 : index
    %get3A_31 = vector.load %arg4[%get3A_29, %get3A_30] : memref<1x64xf32, #tpu.memory_space<vmem>>, vector<1x64xf32>
    %add3A_32 = arith.addf %dot_general3A_28, %get3A_31 : vector<1x64xf32>
    %get3A_33 = arith.constant 1 : index
    %get3A_34 = arith.constant 0 : index
    %get3A_35 = arith.constant 0 : index
    %get3A_36 = vector.load %arg1[%get3A_33, %get3A_34, %get3A_35] : memref<4x768x576xf32, #tpu.memory_space<vmem>>, vector<1x768x576xf32>
    %get3A_37 = vector.shape_cast %get3A_36 : vector<1x768x576xf32> to vector<768x576xf32>
    %dot_general3A_38 = arith.constant dense<0.000000e+00> : vector<64x576xf32>
    %dot_general3A_39 = tpu.matmul %get3A_13, %get3A_37, %dot_general3A_38 {dimension_numbers = #tpu.dot_dimension_numbers<[1], [0], [0], [1], [0, 0, 1, 1], [], []>, transpose_lhs_hint = false} : vector<64x768xf32>, vector<768x576xf32>, vector<64x576xf32> -> vector<64x576xf32>
    %get3A_40 = arith.constant 0 : index
    %get3A_41 = arith.constant 0 : index
    %get3A_42 = vector.load %arg6[%get3A_40, %get3A_41] : memref<64x1xf32, #tpu.memory_space<vmem>>, vector<64x1xf32>
    %add3A_43 = vector.broadcast %get3A_42 : vector<64x1xf32> to vector<64x576xf32>
    %add3A_44 = arith.addf %dot_general3A_39, %add3A_43 : vector<64x576xf32>
    %reduce_sum3A_45 = arith.constant dense<0.000000e+00> : vector<768xf32>
    %reduce_sum3A_46 = vector.multi_reduction <add>, %get3A_37, %reduce_sum3A_45 [1] : vector<768x576xf32> to vector<768xf32>
    %mul3A_47 = arith.constant 0.00173611112 : f32
    %mul3A_48 = vector.broadcast %mul3A_47 : f32 to vector<768xf32>
    %mul3A_49 = arith.mulf %reduce_sum3A_46, %mul3A_48 : vector<768xf32>
    %reshape3A_50 = vector.shape_cast %mul3A_49 : vector<768xf32> to vector<1x768xf32>
    %dot_general3A_51 = arith.constant dense<0.000000e+00> : vector<1x64xf32>
    %dot_general3A_52 = tpu.matmul %reshape3A_50, %get3A_4, %dot_general3A_51 {dimension_numbers = #tpu.dot_dimension_numbers<[1], [0], [0], [1], [0, 0, 1, 1], [], []>, transpose_lhs_hint = false} : vector<1x768xf32>, vector<768x64xf32>, vector<1x64xf32> -> vector<1x64xf32>
    %get3A_53 = arith.constant 0 : index
    %get3A_54 = arith.constant 0 : index
    %get3A_55 = vector.load %arg4[%get3A_53, %get3A_54] : memref<1x64xf32, #tpu.memory_space<vmem>>, vector<1x64xf32>
    %add3A_56 = arith.addf %dot_general3A_52, %get3A_55 : vector<1x64xf32>
    %get3A_57 = arith.constant 2 : index
    %get3A_58 = arith.constant 0 : index
    %get3A_59 = arith.constant 0 : index
    %get3A_60 = vector.load %arg1[%get3A_57, %get3A_58, %get3A_59] : memref<4x768x576xf32, #tpu.memory_space<vmem>>, vector<1x768x576xf32>
    %get3A_61 = vector.shape_cast %get3A_60 : vector<1x768x576xf32> to vector<768x576xf32>
    %dot_general3A_62 = arith.constant dense<0.000000e+00> : vector<64x576xf32>
    %dot_general3A_63 = tpu.matmul %get3A_13, %get3A_61, %dot_general3A_62 {dimension_numbers = #tpu.dot_dimension_numbers<[1], [0], [0], [1], [0, 0, 1, 1], [], []>, transpose_lhs_hint = false} : vector<64x768xf32>, vector<768x576xf32>, vector<64x576xf32> -> vector<64x576xf32>
    %get3A_64 = arith.constant 0 : index
    %get3A_65 = arith.constant 0 : index
    %get3A_66 = vector.load %arg6[%get3A_64, %get3A_65] : memref<64x1xf32, #tpu.memory_space<vmem>>, vector<64x1xf32>
    %add3A_67 = vector.broadcast %get3A_66 : vector<64x1xf32> to vector<64x576xf32>
    %add3A_68 = arith.addf %dot_general3A_63, %add3A_67 : vector<64x576xf32>
    %reduce_sum3A_69 = arith.constant dense<0.000000e+00> : vector<768xf32>
    %reduce_sum3A_70 = vector.multi_reduction <add>, %get3A_61, %reduce_sum3A_69 [1] : vector<768x576xf32> to vector<768xf32>
    %mul3A_71 = arith.constant 0.00173611112 : f32
    %mul3A_72 = vector.broadcast %mul3A_71 : f32 to vector<768xf32>
    %mul3A_73 = arith.mulf %reduce_sum3A_70, %mul3A_72 : vector<768xf32>
    %reshape3A_74 = vector.shape_cast %mul3A_73 : vector<768xf32> to vector<1x768xf32>
    %dot_general3A_75 = arith.constant dense<0.000000e+00> : vector<1x64xf32>
    %dot_general3A_76 = tpu.matmul %reshape3A_74, %get3A_4, %dot_general3A_75 {dimension_numbers = #tpu.dot_dimension_numbers<[1], [0], [0], [1], [0, 0, 1, 1], [], []>, transpose_lhs_hint = false} : vector<1x768xf32>, vector<768x64xf32>, vector<1x64xf32> -> vector<1x64xf32>
    %get3A_77 = arith.constant 0 : index
    %get3A_78 = arith.constant 0 : index
    %get3A_79 = vector.load %arg4[%get3A_77, %get3A_78] : memref<1x64xf32, #tpu.memory_space<vmem>>, vector<1x64xf32>
    %add3A_80 = arith.addf %dot_general3A_76, %get3A_79 : vector<1x64xf32>
    %get3A_81 = arith.constant 3 : index
    %get3A_82 = arith.constant 0 : index
    %get3A_83 = arith.constant 0 : index
    %get3A_84 = vector.load %arg1[%get3A_81, %get3A_82, %get3A_83] : memref<4x768x576xf32, #tpu.memory_space<vmem>>, vector<1x768x576xf32>
    %get3A_85 = vector.shape_cast %get3A_84 : vector<1x768x576xf32> to vector<768x576xf32>
    %dot_general3A_86 = arith.constant dense<0.000000e+00> : vector<64x576xf32>
    %dot_general3A_87 = tpu.matmul %get3A_13, %get3A_85, %dot_general3A_86 {dimension_numbers = #tpu.dot_dimension_numbers<[1], [0], [0], [1], [0, 0, 1, 1], [], []>, transpose_lhs_hint = false} : vector<64x768xf32>, vector<768x576xf32>, vector<64x576xf32> -> vector<64x576xf32>
    %get3A_88 = arith.constant 0 : index
    %get3A_89 = arith.constant 0 : index
    %get3A_90 = vector.load %arg6[%get3A_88, %get3A_89] : memref<64x1xf32, #tpu.memory_space<vmem>>, vector<64x1xf32>
    %add3A_91 = vector.broadcast %get3A_90 : vector<64x1xf32> to vector<64x576xf32>
    %add3A_92 = arith.addf %dot_general3A_87, %add3A_91 : vector<64x576xf32>
    %reduce_sum3A_93 = arith.constant dense<0.000000e+00> : vector<768xf32>
    %reduce_sum3A_94 = vector.multi_reduction <add>, %get3A_85, %reduce_sum3A_93 [1] : vector<768x576xf32> to vector<768xf32>
    %mul3A_95 = arith.constant 0.00173611112 : f32
    %mul3A_96 = vector.broadcast %mul3A_95 : f32 to vector<768xf32>
    %mul3A_97 = arith.mulf %reduce_sum3A_94, %mul3A_96 : vector<768xf32>
    %reshape3A_98 = vector.shape_cast %mul3A_97 : vector<768xf32> to vector<1x768xf32>
    %dot_general3A_99 = arith.constant dense<0.000000e+00> : vector<1x64xf32>
    %dot_general3A_100 = tpu.matmul %reshape3A_98, %get3A_4, %dot_general3A_99 {dimension_numbers = #tpu.dot_dimension_numbers<[1], [0], [0], [1], [0, 0, 1, 1], [], []>, transpose_lhs_hint = false} : vector<1x768xf32>, vector<768x64xf32>, vector<1x64xf32> -> vector<1x64xf32>
    %get3A_101 = arith.constant 0 : index
    %get3A_102 = arith.constant 0 : index
    %get3A_103 = vector.load %arg4[%get3A_101, %get3A_102] : memref<1x64xf32, #tpu.memory_space<vmem>>, vector<1x64xf32>
    %add3A_104 = arith.addf %dot_general3A_100, %get3A_103 : vector<1x64xf32>
    %concatenate3A = tpu.concatenate %add3A_32, %get3A_1, %add3A_56, %get3A_1, %add3A_80, %get3A_1, %add3A_104, %get3A_1 in 0 : vector<1x64xf32>, vector<16x64xf32>, vector<1x64xf32>, vector<16x64xf32>, vector<1x64xf32>, vector<16x64xf32>, vector<1x64xf32>, vector<16x64xf32> -> vector<68x64xf32>
    %dot_general3A_105 = arith.constant dense<0.000000e+00> : vector<68x192xf32>
    %dot_general3A_106 = tpu.matmul %concatenate3A, %get3A_7, %dot_general3A_105 {dimension_numbers = #tpu.dot_dimension_numbers<[1], [0], [0], [1], [0, 0, 1, 1], [], []>, transpose_lhs_hint = false} : vector<68x64xf32>, vector<64x192xf32>, vector<68x192xf32> -> vector<68x192xf32>
    %get3A_107 = arith.constant 0 : index
    %get3A_108 = arith.constant 0 : index
    %get3A_109 = vector.load %arg8[%get3A_107, %get3A_108] : memref<1x192xf32, #tpu.memory_space<vmem>>, vector<1x192xf32>
    %add3A_110 = vector.broadcast %get3A_109 : vector<1x192xf32> to vector<68x192xf32>
    %add3A_111 = arith.addf %dot_general3A_106, %add3A_110 : vector<68x192xf32>
    %iota3A = tpu.iota {dimensions = array<i32: 0>} : vector<68x68xi32>
    %jit3A = arith.constant 17 : i32
    %div3A = vector.broadcast %jit3A : i32 to vector<68x68xi32>
    %div3A_112 = arith.divsi %iota3A, %div3A : vector<68x68xi32>
    %sign3A = arith.constant 0 : i32
    %sign3A_113 = vector.broadcast %sign3A : i32 to vector<68x68xi32>
    %sign3A_114 = arith.cmpi sgt, %iota3A, %sign3A_113 : vector<68x68xi32>
    %sign3A_115 = arith.extui %sign3A_114 : vector<68x68xi1> to vector<68x68xi32>
    %sign3A_116 = arith.constant 0 : i32
    %sign3A_117 = vector.broadcast %sign3A_116 : i32 to vector<68x68xi32>
    %sign3A_118 = arith.cmpi slt, %iota3A, %sign3A_117 : vector<68x68xi32>
    %sign3A_119 = arith.extui %sign3A_118 : vector<68x68xi1> to vector<68x68xi32>
    %sign3A_120 = arith.subi %sign3A_115, %sign3A_119 : vector<68x68xi32>
    %sign3A_121 = arith.constant 0 : i32
    %sign3A_122 = arith.cmpi sgt, %jit3A, %sign3A_121 : i32
    %sign3A_123 = arith.extui %sign3A_122 : i1 to i32
    %sign3A_124 = arith.constant 0 : i32
    %sign3A_125 = arith.cmpi slt, %jit3A, %sign3A_124 : i32
    %sign3A_126 = arith.extui %sign3A_125 : i1 to i32
    %sign3A_127 = arith.subi %sign3A_123, %sign3A_126 : i32
    %ne3A = vector.broadcast %sign3A_127 : i32 to vector<68x68xi32>
    %ne3A_128 = arith.cmpi ne, %sign3A_120, %ne3A : vector<68x68xi32>
    %rem3A = vector.broadcast %jit3A : i32 to vector<68x68xi32>
    %rem3A_129 = arith.remsi %iota3A, %rem3A : vector<68x68xi32>
    %ne3A_130 = arith.constant 0 : i32
    %ne3A_131 = vector.broadcast %ne3A_130 : i32 to vector<68x68xi32>
    %ne3A_132 = arith.cmpi ne, %rem3A_129, %ne3A_131 : vector<68x68xi32>
    %and3A = arith.andi %ne3A_128, %ne3A_132 : vector<68x68xi1>
    %sub3A = arith.constant 1 : i32
    %sub3A_133 = vector.broadcast %sub3A : i32 to vector<68x68xi32>
    %sub3A_134 = arith.subi %div3A_112, %sub3A_133 : vector<68x68xi32>
    %select_n3A = arith.select %and3A, %sub3A_134, %div3A_112 : vector<68x68xi1>, vector<68x68xi32>
    %iota3A_135 = tpu.iota {dimensions = array<i32: 1>} : vector<68x68xi32>
    %jit3A_136 = arith.constant 17 : i32
    %div3A_137 = vector.broadcast %jit3A_136 : i32 to vector<68x68xi32>
    %div3A_138 = arith.divsi %iota3A_135, %div3A_137 : vector<68x68xi32>
    %sign3A_139 = arith.constant 0 : i32
    %sign3A_140 = vector.broadcast %sign3A_139 : i32 to vector<68x68xi32>
    %sign3A_141 = arith.cmpi sgt, %iota3A_135, %sign3A_140 : vector<68x68xi32>
    %sign3A_142 = arith.extui %sign3A_141 : vector<68x68xi1> to vector<68x68xi32>
    %sign3A_143 = arith.constant 0 : i32
    %sign3A_144 = vector.broadcast %sign3A_143 : i32 to vector<68x68xi32>
    %sign3A_145 = arith.cmpi slt, %iota3A_135, %sign3A_144 : vector<68x68xi32>
    %sign3A_146 = arith.extui %sign3A_145 : vector<68x68xi1> to vector<68x68xi32>
    %sign3A_147 = arith.subi %sign3A_142, %sign3A_146 : vector<68x68xi32>
    %sign3A_148 = arith.constant 0 : i32
    %sign3A_149 = arith.cmpi sgt, %jit3A_136, %sign3A_148 : i32
    %sign3A_150 = arith.extui %sign3A_149 : i1 to i32
    %sign3A_151 = arith.constant 0 : i32
    %sign3A_152 = arith.cmpi slt, %jit3A_136, %sign3A_151 : i32
    %sign3A_153 = arith.extui %sign3A_152 : i1 to i32
    %sign3A_154 = arith.subi %sign3A_150, %sign3A_153 : i32
    %ne3A_155 = vector.broadcast %sign3A_154 : i32 to vector<68x68xi32>
    %ne3A_156 = arith.cmpi ne, %sign3A_147, %ne3A_155 : vector<68x68xi32>
    %rem3A_157 = vector.broadcast %jit3A_136 : i32 to vector<68x68xi32>
    %rem3A_158 = arith.remsi %iota3A_135, %rem3A_157 : vector<68x68xi32>
    %ne3A_159 = arith.constant 0 : i32
    %ne3A_160 = vector.broadcast %ne3A_159 : i32 to vector<68x68xi32>
    %ne3A_161 = arith.cmpi ne, %rem3A_158, %ne3A_160 : vector<68x68xi32>
    %and3A_162 = arith.andi %ne3A_156, %ne3A_161 : vector<68x68xi1>
    %sub3A_163 = arith.constant 1 : i32
    %sub3A_164 = vector.broadcast %sub3A_163 : i32 to vector<68x68xi32>
    %sub3A_165 = arith.subi %div3A_138, %sub3A_164 : vector<68x68xi32>
    %select_n3A_166 = arith.select %and3A_162, %sub3A_165, %div3A_138 : vector<68x68xi1>, vector<68x68xi32>
    %eq3A = arith.cmpi eq, %select_n3A, %select_n3A_166 : vector<68x68xi32>
    %slice3A = vector.extract_strided_slice %add3A_111 {offsets = [0, 0], sizes = [68, 16], strides = [1, 1]} : vector<68x192xf32> to vector<68x16xf32>
    %slice3A_167 = vector.extract_strided_slice %add3A_111 {offsets = [0, 64], sizes = [68, 16], strides = [1, 1]} : vector<68x192xf32> to vector<68x16xf32>
    %slice3A_168 = vector.extract_strided_slice %add3A_111 {offsets = [0, 128], sizes = [68, 16], strides = [1, 1]} : vector<68x192xf32> to vector<68x16xf32>
    %dot_general3A_169 = arith.constant dense<0.000000e+00> : vector<68x68xf32>
    %dot_general3A_170 = tpu.matmul %slice3A, %slice3A_167, %dot_general3A_169 {dimension_numbers = #tpu.dot_dimension_numbers<[1], [1], [0], [0], [0, 0, 1, 0], [], []>, transpose_lhs_hint = false} : vector<68x16xf32>, vector<68x16xf32>, vector<68x68xf32> -> vector<68x68xf32>
    %mul3A_171 = arith.constant 2.500000e-01 : f32
    %mul3A_172 = vector.broadcast %mul3A_171 : f32 to vector<68x68xf32>
    %mul3A_173 = arith.mulf %dot_general3A_170, %mul3A_172 : vector<68x68xf32>
    %jit3A_174 = arith.constant 0xFF800000 : f32
    %broadcast_in_dim3A = vector.broadcast %jit3A_174 : f32 to vector<68x68xf32>
    %select_n3A_175 = arith.select %eq3A, %mul3A_173, %broadcast_in_dim3A : vector<68x68xi1>, vector<68x68xf32>
    %reduce_max3A = arith.constant dense<0xFF800000> : vector<68xf32>
    %reduce_max3A_176 = vector.multi_reduction <maximumf>, %select_n3A_175, %reduce_max3A [1] : vector<68x68xf32> to vector<68xf32>
    %broadcast_in_dim3A_177 = vector.shape_cast %reduce_max3A_176 : vector<68xf32> to vector<68x1xf32>
    %sub3A_178 = vector.broadcast %broadcast_in_dim3A_177 : vector<68x1xf32> to vector<68x68xf32>
    %sub3A_179 = arith.subf %select_n3A_175, %sub3A_178 : vector<68x68xf32>
    %exp3A = math.exp %sub3A_179 : vector<68x68xf32>
    %reduce_sum3A_180 = arith.constant dense<0.000000e+00> : vector<68xf32>
    %reduce_sum3A_181 = vector.multi_reduction <add>, %exp3A, %reduce_sum3A_180 [1] : vector<68x68xf32> to vector<68xf32>
    %broadcast_in_dim3A_182 = vector.shape_cast %reduce_sum3A_181 : vector<68xf32> to vector<68x1xf32>
    %div3A_183 = vector.broadcast %broadcast_in_dim3A_182 : vector<68x1xf32> to vector<68x68xf32>
    %div3A_184 = arith.divf %exp3A, %div3A_183 : vector<68x68xf32>
    %dot_general3A_185 = arith.constant dense<0.000000e+00> : vector<68x16xf32>
    %dot_general3A_186 = tpu.matmul %div3A_184, %slice3A_168, %dot_general3A_185 {dimension_numbers = #tpu.dot_dimension_numbers<[1], [0], [0], [1], [0, 0, 1, 1], [], []>, transpose_lhs_hint = false} : vector<68x68xf32>, vector<68x16xf32>, vector<68x16xf32> -> vector<68x16xf32>
    %slice3A_187 = vector.extract_strided_slice %add3A_111 {offsets = [0, 16], sizes = [68, 16], strides = [1, 1]} : vector<68x192xf32> to vector<68x16xf32>
    %slice3A_188 = vector.extract_strided_slice %add3A_111 {offsets = [0, 80], sizes = [68, 16], strides = [1, 1]} : vector<68x192xf32> to vector<68x16xf32>
    %slice3A_189 = vector.extract_strided_slice %add3A_111 {offsets = [0, 144], sizes = [68, 16], strides = [1, 1]} : vector<68x192xf32> to vector<68x16xf32>
    %dot_general3A_190 = arith.constant dense<0.000000e+00> : vector<68x68xf32>
    %dot_general3A_191 = tpu.matmul %slice3A_187, %slice3A_188, %dot_general3A_190 {dimension_numbers = #tpu.dot_dimension_numbers<[1], [1], [0], [0], [0, 0, 1, 0], [], []>, transpose_lhs_hint = false} : vector<68x16xf32>, vector<68x16xf32>, vector<68x68xf32> -> vector<68x68xf32>
    %mul3A_192 = arith.constant 2.500000e-01 : f32
    %mul3A_193 = vector.broadcast %mul3A_192 : f32 to vector<68x68xf32>
    %mul3A_194 = arith.mulf %dot_general3A_191, %mul3A_193 : vector<68x68xf32>
    %jit3A_195 = arith.constant 0xFF800000 : f32
    %broadcast_in_dim3A_196 = vector.broadcast %jit3A_195 : f32 to vector<68x68xf32>
    %select_n3A_197 = arith.select %eq3A, %mul3A_194, %broadcast_in_dim3A_196 : vector<68x68xi1>, vector<68x68xf32>
    %reduce_max3A_198 = arith.constant dense<0xFF800000> : vector<68xf32>
    %reduce_max3A_199 = vector.multi_reduction <maximumf>, %select_n3A_197, %reduce_max3A_198 [1] : vector<68x68xf32> to vector<68xf32>
    %broadcast_in_dim3A_200 = vector.shape_cast %reduce_max3A_199 : vector<68xf32> to vector<68x1xf32>
    %sub3A_201 = vector.broadcast %broadcast_in_dim3A_200 : vector<68x1xf32> to vector<68x68xf32>
    %sub3A_202 = arith.subf %select_n3A_197, %sub3A_201 : vector<68x68xf32>
    %exp3A_203 = math.exp %sub3A_202 : vector<68x68xf32>
    %reduce_sum3A_204 = arith.constant dense<0.000000e+00> : vector<68xf32>
    %reduce_sum3A_205 = vector.multi_reduction <add>, %exp3A_203, %reduce_sum3A_204 [1] : vector<68x68xf32> to vector<68xf32>
    %broadcast_in_dim3A_206 = vector.shape_cast %reduce_sum3A_205 : vector<68xf32> to vector<68x1xf32>
    %div3A_207 = vector.broadcast %broadcast_in_dim3A_206 : vector<68x1xf32> to vector<68x68xf32>
    %div3A_208 = arith.divf %exp3A_203, %div3A_207 : vector<68x68xf32>
    %dot_general3A_209 = arith.constant dense<0.000000e+00> : vector<68x16xf32>
    %dot_general3A_210 = tpu.matmul %div3A_208, %slice3A_189, %dot_general3A_209 {dimension_numbers = #tpu.dot_dimension_numbers<[1], [0], [0], [1], [0, 0, 1, 1], [], []>, transpose_lhs_hint = false} : vector<68x68xf32>, vector<68x16xf32>, vector<68x16xf32> -> vector<68x16xf32>
    %slice3A_211 = vector.extract_strided_slice %add3A_111 {offsets = [0, 32], sizes = [68, 16], strides = [1, 1]} : vector<68x192xf32> to vector<68x16xf32>
    %slice3A_212 = vector.extract_strided_slice %add3A_111 {offsets = [0, 96], sizes = [68, 16], strides = [1, 1]} : vector<68x192xf32> to vector<68x16xf32>
    %slice3A_213 = vector.extract_strided_slice %add3A_111 {offsets = [0, 160], sizes = [68, 16], strides = [1, 1]} : vector<68x192xf32> to vector<68x16xf32>
    %dot_general3A_214 = arith.constant dense<0.000000e+00> : vector<68x68xf32>
    %dot_general3A_215 = tpu.matmul %slice3A_211, %slice3A_212, %dot_general3A_214 {dimension_numbers = #tpu.dot_dimension_numbers<[1], [1], [0], [0], [0, 0, 1, 0], [], []>, transpose_lhs_hint = false} : vector<68x16xf32>, vector<68x16xf32>, vector<68x68xf32> -> vector<68x68xf32>
    %mul3A_216 = arith.constant 2.500000e-01 : f32
    %mul3A_217 = vector.broadcast %mul3A_216 : f32 to vector<68x68xf32>
    %mul3A_218 = arith.mulf %dot_general3A_215, %mul3A_217 : vector<68x68xf32>
    %jit3A_219 = arith.constant 0xFF800000 : f32
    %broadcast_in_dim3A_220 = vector.broadcast %jit3A_219 : f32 to vector<68x68xf32>
    %select_n3A_221 = arith.select %eq3A, %mul3A_218, %broadcast_in_dim3A_220 : vector<68x68xi1>, vector<68x68xf32>
    %reduce_max3A_222 = arith.constant dense<0xFF800000> : vector<68xf32>
    %reduce_max3A_223 = vector.multi_reduction <maximumf>, %select_n3A_221, %reduce_max3A_222 [1] : vector<68x68xf32> to vector<68xf32>
    %broadcast_in_dim3A_224 = vector.shape_cast %reduce_max3A_223 : vector<68xf32> to vector<68x1xf32>
    %sub3A_225 = vector.broadcast %broadcast_in_dim3A_224 : vector<68x1xf32> to vector<68x68xf32>
    %sub3A_226 = arith.subf %select_n3A_221, %sub3A_225 : vector<68x68xf32>
    %exp3A_227 = math.exp %sub3A_226 : vector<68x68xf32>
    %reduce_sum3A_228 = arith.constant dense<0.000000e+00> : vector<68xf32>
    %reduce_sum3A_229 = vector.multi_reduction <add>, %exp3A_227, %reduce_sum3A_228 [1] : vector<68x68xf32> to vector<68xf32>
    %broadcast_in_dim3A_230 = vector.shape_cast %reduce_sum3A_229 : vector<68xf32> to vector<68x1xf32>
    %div3A_231 = vector.broadcast %broadcast_in_dim3A_230 : vector<68x1xf32> to vector<68x68xf32>
    %div3A_232 = arith.divf %exp3A_227, %div3A_231 : vector<68x68xf32>
    %dot_general3A_233 = arith.constant dense<0.000000e+00> : vector<68x16xf32>
    %dot_general3A_234 = tpu.matmul %div3A_232, %slice3A_213, %dot_general3A_233 {dimension_numbers = #tpu.dot_dimension_numbers<[1], [0], [0], [1], [0, 0, 1, 1], [], []>, transpose_lhs_hint = false} : vector<68x68xf32>, vector<68x16xf32>, vector<68x16xf32> -> vector<68x16xf32>
    %slice3A_235 = vector.extract_strided_slice %add3A_111 {offsets = [0, 48], sizes = [68, 16], strides = [1, 1]} : vector<68x192xf32> to vector<68x16xf32>
    %slice3A_236 = vector.extract_strided_slice %add3A_111 {offsets = [0, 112], sizes = [68, 16], strides = [1, 1]} : vector<68x192xf32> to vector<68x16xf32>
    %slice3A_237 = vector.extract_strided_slice %add3A_111 {offsets = [0, 176], sizes = [68, 16], strides = [1, 1]} : vector<68x192xf32> to vector<68x16xf32>
    %dot_general3A_238 = arith.constant dense<0.000000e+00> : vector<68x68xf32>
    %dot_general3A_239 = tpu.matmul %slice3A_235, %slice3A_236, %dot_general3A_238 {dimension_numbers = #tpu.dot_dimension_numbers<[1], [1], [0], [0], [0, 0, 1, 0], [], []>, transpose_lhs_hint = false} : vector<68x16xf32>, vector<68x16xf32>, vector<68x68xf32> -> vector<68x68xf32>
    %mul3A_240 = arith.constant 2.500000e-01 : f32
    %mul3A_241 = vector.broadcast %mul3A_240 : f32 to vector<68x68xf32>
    %mul3A_242 = arith.mulf %dot_general3A_239, %mul3A_241 : vector<68x68xf32>
    %jit3A_243 = arith.constant 0xFF800000 : f32
    %broadcast_in_dim3A_244 = vector.broadcast %jit3A_243 : f32 to vector<68x68xf32>
    %select_n3A_245 = arith.select %eq3A, %mul3A_242, %broadcast_in_dim3A_244 : vector<68x68xi1>, vector<68x68xf32>
    %reduce_max3A_246 = arith.constant dense<0xFF800000> : vector<68xf32>
    %reduce_max3A_247 = vector.multi_reduction <maximumf>, %select_n3A_245, %reduce_max3A_246 [1] : vector<68x68xf32> to vector<68xf32>
    %broadcast_in_dim3A_248 = vector.shape_cast %reduce_max3A_247 : vector<68xf32> to vector<68x1xf32>
    %sub3A_249 = vector.broadcast %broadcast_in_dim3A_248 : vector<68x1xf32> to vector<68x68xf32>
    %sub3A_250 = arith.subf %select_n3A_245, %sub3A_249 : vector<68x68xf32>
    %exp3A_251 = math.exp %sub3A_250 : vector<68x68xf32>
    %reduce_sum3A_252 = arith.constant dense<0.000000e+00> : vector<68xf32>
    %reduce_sum3A_253 = vector.multi_reduction <add>, %exp3A_251, %reduce_sum3A_252 [1] : vector<68x68xf32> to vector<68xf32>
    %broadcast_in_dim3A_254 = vector.shape_cast %reduce_sum3A_253 : vector<68xf32> to vector<68x1xf32>
    %div3A_255 = vector.broadcast %broadcast_in_dim3A_254 : vector<68x1xf32> to vector<68x68xf32>
    %div3A_256 = arith.divf %exp3A_251, %div3A_255 : vector<68x68xf32>
    %dot_general3A_257 = arith.constant dense<0.000000e+00> : vector<68x16xf32>
    %dot_general3A_258 = tpu.matmul %div3A_256, %slice3A_237, %dot_general3A_257 {dimension_numbers = #tpu.dot_dimension_numbers<[1], [0], [0], [1], [0, 0, 1, 1], [], []>, transpose_lhs_hint = false} : vector<68x68xf32>, vector<68x16xf32>, vector<68x16xf32> -> vector<68x16xf32>
    %concatenate3A_259 = tpu.concatenate %dot_general3A_186, %dot_general3A_210, %dot_general3A_234, %dot_general3A_258 in 1 : vector<68x16xf32>, vector<68x16xf32>, vector<68x16xf32>, vector<68x16xf32> -> vector<68x64xf32>
    %dot_general3A_260 = arith.constant dense<0.000000e+00> : vector<68x64xf32>
    %dot_general3A_261 = tpu.matmul %concatenate3A_259, %get3A_10, %dot_general3A_260 {dimension_numbers = #tpu.dot_dimension_numbers<[1], [0], [0], [1], [0, 0, 1, 1], [], []>, transpose_lhs_hint = false} : vector<68x64xf32>, vector<64x64xf32>, vector<68x64xf32> -> vector<68x64xf32>
    %get3A_262 = arith.constant 0 : index
    %get3A_263 = arith.constant 0 : index
    %get3A_264 = vector.load %arg10[%get3A_262, %get3A_263] : memref<1x64xf32, #tpu.memory_space<vmem>>, vector<1x64xf32>
    %add3A_265 = vector.broadcast %get3A_264 : vector<1x64xf32> to vector<68x64xf32>
    %add3A_266 = arith.addf %dot_general3A_261, %add3A_265 : vector<68x64xf32>
    %add3A_267 = arith.addf %add3A_266, %concatenate3A : vector<68x64xf32>
    %reduce_sum3A_268 = arith.constant dense<0.000000e+00> : vector<68xf32>
    %reduce_sum3A_269 = vector.multi_reduction <add>, %add3A_267, %reduce_sum3A_268 [1] : vector<68x64xf32> to vector<68xf32>
    %broadcast_in_dim3A_270 = vector.shape_cast %reduce_sum3A_269 : vector<68xf32> to vector<68x1xf32>
    %div3A_271 = arith.constant 6.400000e+01 : f32
    %div3A_272 = vector.broadcast %div3A_271 : f32 to vector<68x1xf32>
    %div3A_273 = arith.divf %broadcast_in_dim3A_270, %div3A_272 : vector<68x1xf32>
    %sub3A_274 = vector.broadcast %div3A_273 : vector<68x1xf32> to vector<68x64xf32>
    %sub3A_275 = arith.subf %add3A_267, %sub3A_274 : vector<68x64xf32>
    %integer_pow3A = arith.mulf %sub3A_275, %sub3A_275 : vector<68x64xf32>
    %reduce_sum3A_276 = arith.constant dense<0.000000e+00> : vector<68xf32>
    %reduce_sum3A_277 = vector.multi_reduction <add>, %integer_pow3A, %reduce_sum3A_276 [1] : vector<68x64xf32> to vector<68xf32>
    %broadcast_in_dim3A_278 = vector.shape_cast %reduce_sum3A_277 : vector<68xf32> to vector<68x1xf32>
    %div3A_279 = arith.constant 6.400000e+01 : f32
    %div3A_280 = vector.broadcast %div3A_279 : f32 to vector<68x1xf32>
    %div3A_281 = arith.divf %broadcast_in_dim3A_278, %div3A_280 : vector<68x1xf32>
    %sub3A_282 = vector.broadcast %div3A_273 : vector<68x1xf32> to vector<68x64xf32>
    %sub3A_283 = arith.subf %add3A_267, %sub3A_282 : vector<68x64xf32>
    %add3A_284 = arith.constant 9.99999974E-6 : f32
    %add3A_285 = vector.broadcast %add3A_284 : f32 to vector<68x1xf32>
    %add3A_286 = arith.addf %div3A_281, %add3A_285 : vector<68x1xf32>
    %sqrt3A = math.sqrt %add3A_286 : vector<68x1xf32>
    %div3A_287 = vector.broadcast %sqrt3A : vector<68x1xf32> to vector<68x64xf32>
    %div3A_288 = arith.divf %sub3A_283, %div3A_287 : vector<68x64xf32>
    %get3A_289 = arith.constant 0 : index
    %get3A_290 = arith.constant 0 : index
    %get3A_291 = vector.load %arg11[%get3A_289, %get3A_290] : memref<1x64xf32, #tpu.memory_space<vmem>>, vector<1x64xf32>
    %mul3A_292 = vector.broadcast %get3A_291 : vector<1x64xf32> to vector<68x64xf32>
    %mul3A_293 = arith.mulf %div3A_288, %mul3A_292 : vector<68x64xf32>
    %get3A_294 = arith.constant 0 : index
    %get3A_295 = arith.constant 0 : index
    %get3A_296 = vector.load %arg12[%get3A_294, %get3A_295] : memref<1x64xf32, #tpu.memory_space<vmem>>, vector<1x64xf32>
    %add3A_297 = vector.broadcast %get3A_296 : vector<1x64xf32> to vector<68x64xf32>
    %add3A_298 = arith.addf %mul3A_293, %add3A_297 : vector<68x64xf32>
    %slice3A_299 = vector.extract_strided_slice %add3A_298 {offsets = [1, 0], sizes = [16, 64], strides = [1, 1]} : vector<68x64xf32> to vector<16x64xf32>
    %dot_general3A_300 = arith.constant dense<0.000000e+00> : vector<16x576xf32>
    %dot_general3A_301 = tpu.matmul %slice3A_299, %add3A_23, %dot_general3A_300 {dimension_numbers = #tpu.dot_dimension_numbers<[1], [0], [0], [1], [0, 0, 1, 1], [], []>, transpose_lhs_hint = false} : vector<16x64xf32>, vector<64x576xf32>, vector<16x576xf32> -> vector<16x576xf32>
    %mul3A_302 = arith.constant 1.250000e-01 : f32
    %mul3A_303 = vector.broadcast %mul3A_302 : f32 to vector<16x576xf32>
    %mul3A_304 = arith.mulf %dot_general3A_301, %mul3A_303 : vector<16x576xf32>
    %reduce_max3A_305 = arith.constant dense<0xFF800000> : vector<576xf32>
    %reduce_max3A_306 = vector.multi_reduction <maximumf>, %mul3A_304, %reduce_max3A_305 [0] : vector<16x576xf32> to vector<576xf32>
    %broadcast_in_dim3A_307 = vector.shape_cast %reduce_max3A_306 : vector<576xf32> to vector<1x576xf32>
    %sub3A_308 = vector.broadcast %broadcast_in_dim3A_307 : vector<1x576xf32> to vector<16x576xf32>
    %sub3A_309 = arith.subf %mul3A_304, %sub3A_308 : vector<16x576xf32>
    %exp3A_310 = math.exp %sub3A_309 : vector<16x576xf32>
    %reduce_sum3A_311 = arith.constant dense<0.000000e+00> : vector<576xf32>
    %reduce_sum3A_312 = vector.multi_reduction <add>, %exp3A_310, %reduce_sum3A_311 [0] : vector<16x576xf32> to vector<576xf32>
    %broadcast_in_dim3A_313 = vector.shape_cast %reduce_sum3A_312 : vector<576xf32> to vector<1x576xf32>
    %div3A_314 = vector.broadcast %broadcast_in_dim3A_313 : vector<1x576xf32> to vector<16x576xf32>
    %div3A_315 = arith.divf %exp3A_310, %div3A_314 : vector<16x576xf32>
    %swap3A = arith.constant 0 : index
    %swap3A_316 = arith.constant 0 : index
    %swap3A_317 = arith.constant 0 : index
    %swap3A_318 = vector.load %arg13[%swap3A, %swap3A_316, %swap3A_317] : memref<4x16x576xf32, #tpu.memory_space<vmem>>, vector<1x16x576xf32>
    %swap3A_319 = vector.shape_cast %swap3A_318 : vector<1x16x576xf32> to vector<16x576xf32>
    %swap3A_320 = vector.shape_cast %div3A_315 : vector<16x576xf32> to vector<1x16x576xf32>
    tpu.vector_store %arg13[%swap3A, %swap3A_316, %swap3A_317], %swap3A_320 {strides = array<i32>} : memref<4x16x576xf32, #tpu.memory_space<vmem>>, vector<1x16x576xf32>,
    %slice3A_321 = vector.extract_strided_slice %add3A_298 {offsets = [18, 0], sizes = [16, 64], strides = [1, 1]} : vector<68x64xf32> to vector<16x64xf32>
    %dot_general3A_322 = arith.constant dense<0.000000e+00> : vector<16x576xf32>
    %dot_general3A_323 = tpu.matmul %slice3A_321, %add3A_44, %dot_general3A_322 {dimension_numbers = #tpu.dot_dimension_numbers<[1], [0], [0], [1], [0, 0, 1, 1], [], []>, transpose_lhs_hint = false} : vector<16x64xf32>, vector<64x576xf32>, vector<16x576xf32> -> vector<16x576xf32>
    %mul3A_324 = arith.constant 1.250000e-01 : f32
    %mul3A_325 = vector.broadcast %mul3A_324 : f32 to vector<16x576xf32>
    %mul3A_326 = arith.mulf %dot_general3A_323, %mul3A_325 : vector<16x576xf32>
    %reduce_max3A_327 = arith.constant dense<0xFF800000> : vector<576xf32>
    %reduce_max3A_328 = vector.multi_reduction <maximumf>, %mul3A_326, %reduce_max3A_327 [0] : vector<16x576xf32> to vector<576xf32>
    %broadcast_in_dim3A_329 = vector.shape_cast %reduce_max3A_328 : vector<576xf32> to vector<1x576xf32>
    %sub3A_330 = vector.broadcast %broadcast_in_dim3A_329 : vector<1x576xf32> to vector<16x576xf32>
    %sub3A_331 = arith.subf %mul3A_326, %sub3A_330 : vector<16x576xf32>
    %exp3A_332 = math.exp %sub3A_331 : vector<16x576xf32>
    %reduce_sum3A_333 = arith.constant dense<0.000000e+00> : vector<576xf32>
    %reduce_sum3A_334 = vector.multi_reduction <add>, %exp3A_332, %reduce_sum3A_333 [0] : vector<16x576xf32> to vector<576xf32>
    %broadcast_in_dim3A_335 = vector.shape_cast %reduce_sum3A_334 : vector<576xf32> to vector<1x576xf32>
    %div3A_336 = vector.broadcast %broadcast_in_dim3A_335 : vector<1x576xf32> to vector<16x576xf32>
    %div3A_337 = arith.divf %exp3A_332, %div3A_336 : vector<16x576xf32>
    %swap3A_338 = arith.constant 1 : index
    %swap3A_339 = arith.constant 0 : index
    %swap3A_340 = arith.constant 0 : index
    %swap3A_341 = vector.load %arg13[%swap3A_338, %swap3A_339, %swap3A_340] : memref<4x16x576xf32, #tpu.memory_space<vmem>>, vector<1x16x576xf32>
    %swap3A_342 = vector.shape_cast %swap3A_341 : vector<1x16x576xf32> to vector<16x576xf32>
    %swap3A_343 = vector.shape_cast %div3A_337 : vector<16x576xf32> to vector<1x16x576xf32>
    tpu.vector_store %arg13[%swap3A_338, %swap3A_339, %swap3A_340], %swap3A_343 {strides = array<i32>} : memref<4x16x576xf32, #tpu.memory_space<vmem>>, vector<1x16x576xf32>,
    %slice3A_344 = vector.extract_strided_slice %add3A_298 {offsets = [35, 0], sizes = [16, 64], strides = [1, 1]} : vector<68x64xf32> to vector<16x64xf32>
    %dot_general3A_345 = arith.constant dense<0.000000e+00> : vector<16x576xf32>
    %dot_general3A_346 = tpu.matmul %slice3A_344, %add3A_68, %dot_general3A_345 {dimension_numbers = #tpu.dot_dimension_numbers<[1], [0], [0], [1], [0, 0, 1, 1], [], []>, transpose_lhs_hint = false} : vector<16x64xf32>, vector<64x576xf32>, vector<16x576xf32> -> vector<16x576xf32>
    %mul3A_347 = arith.constant 1.250000e-01 : f32
    %mul3A_348 = vector.broadcast %mul3A_347 : f32 to vector<16x576xf32>
    %mul3A_349 = arith.mulf %dot_general3A_346, %mul3A_348 : vector<16x576xf32>
    %reduce_max3A_350 = arith.constant dense<0xFF800000> : vector<576xf32>
    %reduce_max3A_351 = vector.multi_reduction <maximumf>, %mul3A_349, %reduce_max3A_350 [0] : vector<16x576xf32> to vector<576xf32>
    %broadcast_in_dim3A_352 = vector.shape_cast %reduce_max3A_351 : vector<576xf32> to vector<1x576xf32>
    %sub3A_353 = vector.broadcast %broadcast_in_dim3A_352 : vector<1x576xf32> to vector<16x576xf32>
    %sub3A_354 = arith.subf %mul3A_349, %sub3A_353 : vector<16x576xf32>
    %exp3A_355 = math.exp %sub3A_354 : vector<16x576xf32>
    %reduce_sum3A_356 = arith.constant dense<0.000000e+00> : vector<576xf32>
    %reduce_sum3A_357 = vector.multi_reduction <add>, %exp3A_355, %reduce_sum3A_356 [0] : vector<16x576xf32> to vector<576xf32>
    %broadcast_in_dim3A_358 = vector.shape_cast %reduce_sum3A_357 : vector<576xf32> to vector<1x576xf32>
    %div3A_359 = vector.broadcast %broadcast_in_dim3A_358 : vector<1x576xf32> to vector<16x576xf32>
    %div3A_360 = arith.divf %exp3A_355, %div3A_359 : vector<16x576xf32>
    %swap3A_361 = arith.constant 2 : index
    %swap3A_362 = arith.constant 0 : index
    %swap3A_363 = arith.constant 0 : index
    %swap3A_364 = vector.load %arg13[%swap3A_361, %swap3A_362, %swap3A_363] : memref<4x16x576xf32, #tpu.memory_space<vmem>>, vector<1x16x576xf32>
    %swap3A_365 = vector.shape_cast %swap3A_364 : vector<1x16x576xf32> to vector<16x576xf32>
    %swap3A_366 = vector.shape_cast %div3A_360 : vector<16x576xf32> to vector<1x16x576xf32>
    tpu.vector_store %arg13[%swap3A_361, %swap3A_362, %swap3A_363], %swap3A_366 {strides = array<i32>} : memref<4x16x576xf32, #tpu.memory_space<vmem>>, vector<1x16x576xf32>,
    %slice3A_367 = vector.extract_strided_slice %add3A_298 {offsets = [52, 0], sizes = [16, 64], strides = [1, 1]} : vector<68x64xf32> to vector<16x64xf32>
    %dot_general3A_368 = arith.constant dense<0.000000e+00> : vector<16x576xf32>
    %dot_general3A_369 = tpu.matmul %slice3A_367, %add3A_92, %dot_general3A_368 {dimension_numbers = #tpu.dot_dimension_numbers<[1], [0], [0], [1], [0, 0, 1, 1], [], []>, transpose_lhs_hint = false} : vector<16x64xf32>, vector<64x576xf32>, vector<16x576xf32> -> vector<16x576xf32>
    %mul3A_370 = arith.constant 1.250000e-01 : f32
    %mul3A_371 = vector.broadcast %mul3A_370 : f32 to vector<16x576xf32>
    %mul3A_372 = arith.mulf %dot_general3A_369, %mul3A_371 : vector<16x576xf32>
    %reduce_max3A_373 = arith.constant dense<0xFF800000> : vector<576xf32>
    %reduce_max3A_374 = vector.multi_reduction <maximumf>, %mul3A_372, %reduce_max3A_373 [0] : vector<16x576xf32> to vector<576xf32>
    %broadcast_in_dim3A_375 = vector.shape_cast %reduce_max3A_374 : vector<576xf32> to vector<1x576xf32>
    %sub3A_376 = vector.broadcast %broadcast_in_dim3A_375 : vector<1x576xf32> to vector<16x576xf32>
    %sub3A_377 = arith.subf %mul3A_372, %sub3A_376 : vector<16x576xf32>
    %exp3A_378 = math.exp %sub3A_377 : vector<16x576xf32>
    %reduce_sum3A_379 = arith.constant dense<0.000000e+00> : vector<576xf32>
    %reduce_sum3A_380 = vector.multi_reduction <add>, %exp3A_378, %reduce_sum3A_379 [0] : vector<16x576xf32> to vector<576xf32>
    %broadcast_in_dim3A_381 = vector.shape_cast %reduce_sum3A_380 : vector<576xf32> to vector<1x576xf32>
    %div3A_382 = vector.broadcast %broadcast_in_dim3A_381 : vector<1x576xf32> to vector<16x576xf32>
    %div3A_383 = arith.divf %exp3A_378, %div3A_382 : vector<16x576xf32>
    %swap3A_384 = arith.constant 3 : index
    %swap3A_385 = arith.constant 0 : index
    %swap3A_386 = arith.constant 0 : index
    %swap3A_387 = vector.load %arg13[%swap3A_384, %swap3A_385, %swap3A_386] : memref<4x16x576xf32, #tpu.memory_space<vmem>>, vector<1x16x576xf32>
    %swap3A_388 = vector.shape_cast %swap3A_387 : vector<1x16x576xf32> to vector<16x576xf32>
    %swap3A_389 = vector.shape_cast %div3A_383 : vector<16x576xf32> to vector<1x16x576xf32>
    tpu.vector_store %arg13[%swap3A_384, %swap3A_385, %swap3A_386], %swap3A_389 {strides = array<i32>} : memref<4x16x576xf32, #tpu.memory_space<vmem>>, vector<1x16x576xf32>,
    return
  }
  func.func @transform_0(%arg0: i32) -> (i32, i32, i32) {
    %c0_i32 = arith.constant 0 : i32
    %c0_i32_0 = arith.constant 0 : i32
    %c0_i32_1 = arith.constant 0 : i32
    return %arg0, %c0_i32, %c0_i32_0 : i32, i32, i32
  }
  func.func @transform_1(%arg0: i32) -> (i32, i32) {
    %c0_i32 = arith.constant 0 : i32
    %c0_i32_0 = arith.constant 0 : i32
    %c0_i32_1 = arith.constant 0 : i32
    return %c0_i32, %c0_i32_0 : i32, i32
  }
  func.func @transform_2(%arg0: i32) -> (i32, i32) {
    %c0_i32 = arith.constant 0 : i32
    %c0_i32_0 = arith.constant 0 : i32
    %c0_i32_1 = arith.constant 0 : i32
    return %c0_i32, %c0_i32_0 : i32, i32
  }
  func.func @transform_3(%arg0: i32) -> (i32, i32) {
    %c0_i32 = arith.constant 0 : i32
    %c0_i32_0 = arith.constant 0 : i32
    %c0_i32_1 = arith.constant 0 : i32
    return %c0_i32, %c0_i32_0 : i32, i32
  }
  func.func @transform_4(%arg0: i32) -> (i32, i32) {
    %c0_i32 = arith.constant 0 : i32
    %c0_i32_0 = arith.constant 0 : i32
    %c0_i32_1 = arith.constant 0 : i32
    return %c0_i32, %c0_i32_0 : i32, i32
  }
  func.func @transform_5(%arg0: i32) -> (i32, i32) {
    %c0_i32 = arith.constant 0 : i32
    %c0_i32_0 = arith.constant 0 : i32
    %c0_i32_1 = arith.constant 0 : i32
    return %c0_i32, %c0_i32_0 : i32, i32
  }
  func.func @transform_6(%arg0: i32) -> (i32, i32) {
    %c0_i32 = arith.constant 0 : i32
    %c0_i32_0 = arith.constant 0 : i32
    %c0_i32_1 = arith.constant 0 : i32
    return %c0_i32, %c0_i32_0 : i32, i32
  }
  func.func @transform_7(%arg0: i32) -> (i32, i32) {
    %c0_i32 = arith.constant 0 : i32
    %c0_i32_0 = arith.constant 0 : i32
    %c0_i32_1 = arith.constant 0 : i32
    return %c0_i32, %c0_i32_0 : i32, i32
  }
  func.func @transform_8(%arg0: i32) -> (i32, i32) {
    %c0_i32 = arith.constant 0 : i32
    %c0_i32_0 = arith.constant 0 : i32
    %c0_i32_1 = arith.constant 0 : i32
    return %c0_i32, %c0_i32_0 : i32, i32
  }
  func.func @transform_9(%arg0: i32) -> (i32, i32) {
    %c0_i32 = arith.constant 0 : i32
    %c0_i32_0 = arith.constant 0 : i32
    %c0_i32_1 = arith.constant 0 : i32
    return %c0_i32, %c0_i32_0 : i32, i32
  }
  func.func @transform_10(%arg0: i32) -> (i32, i32) {
    %c0_i32 = arith.constant 0 : i32
    %c0_i32_0 = arith.constant 0 : i32
    %c0_i32_1 = arith.constant 0 : i32
    return %c0_i32, %c0_i32_0 : i32, i32
  }
  func.func @transform_11(%arg0: i32) -> (i32, i32) {
    %c0_i32 = arith.constant 0 : i32
    %c0_i32_0 = arith.constant 0 : i32
    %c0_i32_1 = arith.constant 0 : i32
    return %c0_i32, %c0_i32_0 : i32, i32
  }
  func.func @transform_12(%arg0: i32) -> (i32, i32, i32) {
    %c0_i32 = arith.constant 0 : i32
    %c0_i32_0 = arith.constant 0 : i32
    %c0_i32_1 = arith.constant 0 : i32
    return %arg0, %c0_i32, %c0_i32_0 : i32, i32, i32
  }
}

</mosaic_0001>

<sc_bundles>
// kernel: kernel.4.cloned.1.call-start
scs
__scs_entry_jumppad:
0x0: {  	(pc) =	sbr.rel $0x88, $3  }
0x1: {  	(tag) =	ssettag $0x0;
	lr =	simm.s32 $0x1  }
0x2: {  	[smem:$0x3F95] =	sst lr;
	_ =	strace $0xD0000000  }
0x3: {  	_ = 	snop  }
0x4: {  	_ = 	snop  }
0x5: {  	_ = 	snop  }
0x6: {  	_ = 	snop  }
0x7: {  	_ = 	snop  }
__scs_overlays_trampoline_lowered:
0x8: {  	[smem:$0x3FA4] =	sst s0  }
0x9: {  	[smem:$0x3FA5] =	sst s1  }
0xa: {  	[smem:$0x3FA6] =	sst s2  }
0xb: {  	[smem:$0x3FA7] =	sst s3  }
0xc: {  	[smem:$0x3FA8] =	sst s4  }
0xd: {  	[smem:$0x3FA9] =	sst s5  }
0xe: {  	[smem:$0x3FAA] =	sst s6  }
0xf: {  	[smem:$0x3FAB] =	sst s7  }
0x10: {  	[smem:$0x3FAC] =	sst s8  }
0x11: {  	[smem:$0x3FAD] =	sst s9;
	s0 =	simm.s32 @!p0 $0x0  }
0x12: {  	s1 =	sld [smem:$0x3F93];
	s0 =	simm.s32 @p0 $0x1  }
0x13: {  	[smem:$0x3FAE] =	sst s0;
	s0 =	simm.s32 @!p1 $0x0  }
0x14: {  	s2 =	sld [smem:$0x3F92];
	s0 =	simm.s32 @p1 $0x1  }
0x15: {  	[smem:$0x3FAF] =	sst s0;
	s0 =	simm.s32 @!p2 $0x0  }
0x16: {  	s3 =	sld [smem:$0x3FDB];
	s0 =	simm.s32 @p2 $0x1  }
0x17: {  	s4 =	simm.s32 $0x1BF5;
	[smem:$0x3FB1] =	sst s0  }
0x18: {  	s0 =	sld [smem:$0x3F94];
	_ =	swait.ge [sflag:s4], $0x0  }
0x19: {  	s7 =	sld [smem:$0x3F95]  }
0x1a: {  	s8 =	sadd.s32 $0xFFFFE003, lr  }
0x1b: {  	s9 =	sadd.s32 $0xFFFFFEF7, lr;
	s5 =	simm.s32 $0xFFFFFFFF;
	p2 =	slt.u32 s8, $0xFFFFF086  }
0x1c: {  	p1 =	slt.u32 s9, $0xF7A;
	s5 =	simm.s32 @!p2 $0x0  }
0x1d: {  	s5 =	simm.s32 @p1 $0x1;
	p0 =	seq.s32 s7, s2  }
0x1e: {  	s7 =	smul.u32 @!p0 $0xF7A, s2;
	p2 =	seq.s32 @!p0 s5, $0x0  }
0x1f: {  	s9 =	smul.u32 $0xF7A, s1;
	s8 =	simm.s32 @!p0 $0x1BF5;
	p2 =	por !p2, p0  }
0x20: {  	[sflag:s8] =	ssyncset.s32 @!p0 $0xFFFFF086;
	s6 =	sadd.s32 @!p0 s3, s7;
	s7 =	simm.s32 @!p0 $0x108  }
0x21: {  	s3 =	sadd.s32 s3, s9;
	s6 =	sadd.s32 @!p0 $0x88, s6;
	s7 =	simm.s32 @p2 $0x1082  }
0x22: {  	[simem:s7], [sflag:s8] =	dma.local @!p0 [hbm:s6], $0xF7A  }
0x23: {  	s9 =	sor.u32 $0xD0000000, s2;
	s6 =	simm.s32 $0x108;
	_ =	swait.ge @!p0 [sflag:s8], $0x0  }
0x24: {  	s3 =	sadd.s32 $0x88, s3;
	s6 =	simm.s32 @!p1 $0x1082;
	[sflag:s4] =	ssyncset.s32 $0xFFFFF086  }
0x25: {  	[simem:s6], [sflag:s4] =	dma.local [hbm:s3], $0xF7A  }
0x26: {  	[smem:$0x3F95] =	sst s1;
	(tag) =	ssettag s2;
	_ =	strace s9  }
0x27: {  	s1 =	sld [smem:$0x3FA5]  }
0x28: {  	s2 =	sld [smem:$0x3FA6]  }
0x29: {  	s4 =	sld [smem:$0x3FA8]  }
0x2a: {  	p0 =	seq.s32 s5, $0x0;
	s5 =	sld [smem:$0x3FA9]  }
0x2b: {  	s6 =	sld [smem:$0x3FAA]  }
0x2c: {  	s7 =	sld [smem:$0x3FAB]  }
0x2d: {  	s3 =	simm.s32 $0x108;
	s8 =	sld [smem:$0x3FAC]  }
0x2e: {  	s3 =	simm.s32 @!p0 $0x1082;
	s9 =	sld [smem:$0x3FAD]  }
0x2f: {  	lr =	sadd.s32 s0, s3;
	s0 =	sld [smem:$0x3FA4]  }
0x30: {  	s3 =	sld [smem:$0x3FA7]  }
0x31: {  	[smem:$0x3FB0] =	sst s10  }
0x32: {  	s10 =	sld [smem:$0x3FAE];
	_ =	sdelay $0x3  }
0x33: {  	p0 =	seq.s32 s10, $0x1;
	s10 =	sld [smem:$0x3FB0];
	_ =	sdelay $0x3  }
0x34: {  	[smem:$0x3FB0] =	sst s10  }
0x35: {  	s10 =	sld [smem:$0x3FAF];
	_ =	sdelay $0x3  }
0x36: {  	p1 =	seq.s32 s10, $0x1;
	s10 =	sld [smem:$0x3FB0];
	_ =	sdelay $0x3  }
0x37: {  	[smem:$0x3FB0] =	sst s10  }
0x38: {  	s10 =	sld [smem:$0x3FB1]  }
0x39: {  	_ = 	snop;
	(pc) =	sbr.ind lr, $3  }
0x3a: {  	_ = 	snop  }
0x3b: {  	_ = 	snop  }
0x3c: {  	p2 =	seq.s32 s10, $0x1;
	s10 =	sld [smem:$0x3FB0]  }
0x3d: {  	_ =	shalt  }
0x3e: {  	_ =	shalt  }
0x3f: {  	_ =	shalt  }
0x40: {  	_ =	shalt  }
0x41: {  	_ =	shalt  }
0x42: {  	_ =	shalt  }
0x43: {  	_ =	shalt  }
0x44: {  	_ =	shalt  }
0x45: {  	_ =	shalt  }
0x46: {  	_ =	shalt  }
0x47: {  	_ =	shalt  }
0x48: {  	_ =	shalt  }
0x49: {  	_ =	shalt  }
0x4a: {  	_ =	shalt  }
0x4b: {  	_ =	shalt  }
0x4c: {  	_ =	shalt  }
0x4d: {  	_ =	shalt  }
0x4e: {  	_ =	shalt  }
0x4f: {  	_ =	shalt  }
0x50: {  	_ =	shalt  }
0x51: {  	_ =	shalt  }
0x52: {  	_ =	shalt  }
0x53: {  	_ =	shalt  }
0x54: {  	_ =	shalt  }
0x55: {  	_ =	shalt  }
0x56: {  	_ =	shalt  }
0x57: {  	_ =	shalt  }
0x58: {  	_ =	shalt  }
0x59: {  	_ =	shalt  }
0x5a: {  	_ =	shalt  }
0x5b: {  	_ =	shalt  }
0x5c: {  	_ =	shalt  }
0x5d: {  	_ =	shalt  }
0x5e: {  	_ =	shalt  }
0x5f: {  	_ =	shalt  }
0x60: {  	_ =	shalt  }
0x61: {  	_ =	shalt  }
0x62: {  	_ =	shalt  }
0x63: {  	_ =	shalt  }
0x64: {  	_ =	shalt  }
0x65: {  	_ =	shalt  }
0x66: {  	_ =	shalt  }
0x67: {  	_ =	shalt  }
0x68: {  	_ =	shalt  }
0x69: {  	_ =	shalt  }
0x6a: {  	_ =	shalt  }
0x6b: {  	_ =	shalt  }
0x6c: {  	_ =	shalt  }
0x6d: {  	_ =	shalt  }
0x6e: {  	_ =	shalt  }
0x6f: {  	_ =	shalt  }
0x70: {  	_ =	shalt  }
0x71: {  	_ =	shalt  }
0x72: {  	_ =	shalt  }
0x73: {  	_ =	shalt  }
0x74: {  	_ =	shalt  }
0x75: {  	_ =	shalt  }
0x76: {  	_ =	shalt  }
0x77: {  	_ =	shalt  }
0x78: {  	_ =	shalt  }
0x79: {  	_ =	shalt  }
0x7a: {  	_ =	shalt  }
0x7b: {  	_ =	shalt  }
0x7c: {  	_ =	shalt  }
0x7d: {  	_ =	shalt  }
0x7e: {  	_ =	shalt  }
0x7f: {  	_ =	shalt  }
0x80: {  	_ =	shalt  }
0x81: {  	_ =	shalt  }
0x82: {  	_ =	shalt  }
0x83: {  	_ =	shalt  }
0x84: {  	_ =	shalt  }
0x85: {  	_ =	shalt  }
0x86: {  	_ =	shalt  }
0x87: {  	_ =	shalt  }
.Lfunc_end0:
.L_simem_size_0:
called_computation_lowered:
.L_overlay_start_0:
0x88: {  	s2 =	sld [smem:$0x3FD9]  }
0x89: {  	s3 =	sld [smem:$0x3FFE];
	_ =	sdelay $0x1  }
0x8a: {  	s1 =	srdreg.scid  }
0x8b: {  	s0 =	sand.u32 $0x1, s1  }
0x8c: {  	s14 =	sshll.u32 s0, $0xA;
	s2 =	sadd.s32 s3, s2  }
0x8d: {  	s2 =	sadd.s32 s2, s14  }
0x8e: {  	[smem:$0x3FBC] =	sst s2  }
0x8f: {  	_ = 	snop  }
0x90: {  	s2 =	sld [smem:$0x3FD0];
	_ =	sdelay $0x2  }
0x91: {  	s15 =	simm.s32 $0xA;
	s4 =	simm.s32 $0x10  }
0x92: {  	[smem:s4], [sflag:s15] =	dma.local [hbm:s2], $0x1  }
0x93: {  	_ =	swait.eq [sflag:s15], $0x1  }
0x94: {  	[sflag:s15] =	ssyncset.done $0x0  }
0x95: {  	[sflag:s15] =	ssyncadd.s32 $0xFFFFFFFF  }
0x96: {  	s16 =	sld [smem:$0x11];
	(tm) =	ssettm $0x1  }
0x97: {  	s17 =	sld [smem:$0x3FFB];
	_ =	sdelay $0x3  }
0x98: {  	_ =	strace s17  }
0x99: {  	s3 =	sld [smem:$0x3FFC];
	_ =	sdelay $0x3  }
0x9a: {  	_ =	strace s3  }
0x9b: {  	s3 =	sld [smem:$0x3FFD];
	_ =	sdelay $0x3  }
0x9c: {  	_ =	strace s3  }
0x9d: {  	_ =	strace $0x8FFFFFFF  }
0x9e: {  	s18 =	sld [smem:$0x3FDB];
	_ =	sdelay $0x1  }
0x9f: {  	s19 =	simm.s32 $_scs_section_size  }
0xa0: {  	s5 =	simm.s32 $_size__tile_overlayer_lowered;
	s6 =	simm.s32 $_tile_overlayer_lowered  }
0xa1: {  	s22 =	simm.s32 $0x1BFF;
	s21 =	sshll.u32 s6, $0x1;
	s3 =	sadd.s32 s19, s18  }
0xa2: {  	s7 =	simm.s32 $0x0;
	s20 =	sshll.u32 s5, $0x1;
	s5 =	sadd.s32 s21, s3  }
0xa3: {  	[timem:s7], [sflag:s22] =	dma.local [hbm:s5], s20  }
0xa4: {  	_ =	swait.ge [sflag:s22], s20  }
0xa5: {  	s4 =	ssub.s32 $0x0, s20;
	[sflag:s22] =	ssyncset.done $0x0  }
0xa6: {  	[sflag:s22] =	ssyncadd.s32 s4;
	_ =	sdelay $0x1  }
0xa7: {  	s23 =	simm.s32 $0x1B8B  }
0xa8: {  	_ =	swait.ge [sflag:s23], $0x1  }
0xa9: {  	[sflag:s23] =	ssyncset.done $0x0  }
0xaa: {  	s25 =	simm.s32 $0x1B8E;
	s24 =	sld [smem:$0x3FFE];
	[sflag:s23] =	ssyncadd.s32 $0xFFFFFFFF  }
0xab: {  	s26 =	simm.s32 $execute0_lowered;
	[smem:$0x3FD2] =	sst s25  }
0xac: {  	s5 =	sshll.u32 s26, $0x1;
	_ =	strace $0x80000046;
	[dreg:$0x1] =	wrdreg $0xFFFFFFFF  }
0xad: {  	s28 =	simm.s32 $_size_execute0_lowered;
	s3 =	sadd.s32 s3, s5;
	[dreg:$0x0] =	wrdreg $0x0  }
0xae: {  	s5 =	sshll.u32 s28, $0x1;
	[dreg:$0x2] =	wrdreg s3  }
0xaf: {  	[dreg:$0x3] =	wrdreg s5  }
0xb0: {  	[dreg:$0x4] =	wrdreg $0xC0  }
0xb1: {  	_ =	task [dreg:s7], $0x5FFFF  }
0xb2: {  	[dreg:$0x1] =	wrdreg $0xFFFFFFFF  }
0xb3: {  	[dreg:$0x0] =	wrdreg $0x60  }
0xb4: {  	[dreg:$0x2] =	wrdreg s24  }
0xb5: {  	[dreg:$0x3] =	wrdreg s16  }
0xb6: {  	[dreg:$0x4] =	wrdreg $0x9  }
0xb7: {  	_ =	task.clear_ibuf [dreg:s7], $0x5FFFF;
	_ =	strace $0x90000046  }
0xb8: {  	s29 =	simm.s32 $0x9;
	_ =	strace $0x80000048  }
0xb9: {  	_ =	swait.ge [sflag:s29], $0x1  }
0xba: {  	[sflag:s29] =	ssyncadd.s32 $0xFFFFFFFF  }
0xbb: {  	_ =	strace $0x90000048  }
0xbc: {  	_ =	sfence  }
0xbd: {  	s30 =	sld [smem:$0x0];
	_ =	sdelay $0x2  }
0xbe: {  	s31 =	sshll.u32 s1, $0xD;
	s1 =	sshrl.u32 s1, $0x2  }
0xbf: {  	s3 =	sand.u32 $0x4000, s31;
	s1 =	sadd.s32 s1, s30  }
0xc0: {  	s0 =	sor.u32 s3, s0;
	s1 =	sshll.u32 s1, $0x11  }
0xc1: {  	s0 =	sor.u32 s1, s0  }
0xc2: {  	s0 =	sadd.s32 $0x8F2B, s0  }
0xc3: {  	[sflag:s0] =	ssyncadd.remote.s32 $0x1  }
0xc4: {  	_ =	sfence.sel $0xFFFF  }
0xc5: {  	[dreg:$0x0] =	wrdreg $0xFFFFFFFF;
	(pc) =	sbr.abs _section_cstart, $3  }
0xc6: {  	[dreg:$0x1] =	wrdreg $0xFFFFFFFF  }
0xc7: {  	_ =	task.clear_ibuf [dreg:s7], $0x2FFFF;
	_ =	strace $0x9FFFFFFF  }
0xc8: {  	(tm) =	ssettm $0x7FFFFFFF  }
0xc9: {  	_ =	shalt  }
tec
execute0_lowered:
.L_overlay_start_1:
0x0: {  	(tag) =	ssettag $0x1  }
0x1: {  	s3 =	rddreg [dreg:$0x0]  }
0x2: {  	s6 =	rddreg [dreg:$0x1]  }
0x3: {  	s0 =	rddreg [dreg:$0x2];
	s2 =	simm.s32 $0x0;
	s1 =	stileid.u32  }
0x4: {  	s5 =	srdreg.scid;
	s12 =	simm.s32 $0x2490;
	s13 =	simm.s32 $0x2610  }
0x5: {  	[smem:$0x7FF] =	sst s2;
	s4 =	sshrl.u32 s1, $0x1;
	s7 =	sshll.u32 s1, $0x1  }
0x6: {  	s5 =	sand.u32 $0x1, s5;
	s9 =	sand.u32 $0x1, s1;
	s4 =	smul.u32 $0x480, s4  }
0x7: {  	s10 =	sadd.s32 $0x3C00, s3;
	s7 =	sand.u32 $0x2, s7;
	s9 =	smul.u32 $0x480, s9  }
0x8: {  	s30 =	ssub.s32 $0x2, s5;
	s7 =	sor.u32 s5, s7;
	s5 =	smul.u32 $0x240, s5  }
0x9: {  	s11 =	sshrl.u32 s30, $0x1;
	s8 =	sadd.s32 s4, s3;
	s7 =	smul.u32 $0x90, s7  }
0xa: {  	_ =	strace $0x80000047;
	s11 =	ssub.s32 s30, s11;
	s3 =	sadd.s32 $0x1800, s8  }
0xb: {  	s9 =	sadd.s32 s5, s9;
	s8 =	smax.u32 s11, $0x1;
	s4 =	sadd.s32 s4, s7  }
0xc: {  	s11 =	simm.s32 $0x2580;
	s9 =	sadd.s32 $0x4800, s9;
	s7 =	sshrl.u32 s4, $0x3  }
0xd: {  	s14 =	sshrl.u32 s9, $0x2;
	s9 =	simm.s32 $0x1;
	s4 =	sadd.s32 s6, s7  }
0xe: {  	s31 =	sadd.s32 $0x48, s7;
	s5 =	sadd.s32 s10, s7;
	v1 =	vmov s14;
	s14 =	simm.s32 $0x0  }
0xf: {  	v0 =	vimm.s32 $0x0;
	s6 =	sadd.s32 s6, s31;
	s7 =	sadd.s32 s10, s31;
	s10 =	simm.s32 $0x2400  }
.LBB2_1:
0x10: {  	[tilespmem:s2], [sflag:$0x1] =	stream.linear.gather [hbm4b:s3+s2], $0x2400, $0x38;
	[tilespmem:$0x2700] =	vst v63  }
0x11: {  	_ =	swait.ge [sflag:s9], $0x2400  }
0x12: {  	[sflag:s9] =	ssyncset.done $0x0  }
0x13: {  	s15 =	simm.s32 $0x0;
	[sflag:s9] =	ssyncadd.s32 $0xFFFFDC00  }
0x14: {  	v2 =	vld.idx.msk [tilespmem:v1+s15+$0xFFFFEE00 ss:$0x1], $0xffff  }
0x15: {  	v3 =	vld.idx.msk [tilespmem:v1+s15+$0xFFFFF040 ss:$0x1], $0xffff;
	_ =	sdelay $0x4  }
0x16: {  	v5 =	vimm.s32 $0x0;
	v4 =	vld.idx.msk [tilespmem:v1+s15+$0xFFFFF280 ss:$0x1], $0xffff;
	vm1 =	vgt.f32 v3, v2  }
0x17: {  	vm0 =	vgt.f32 v3, $-1.000000000e+00;
	v5 =	vsel vm1, $0xFFFFFFFF, v5;
	vm1 =	vmneg vm1  }
0x18: {  	[tilespmem:$0x1FFC0] =	vst v5;
	vm0 =	vmand vm0, vm1;
	v5 =	vimm.s32 $0x0  }
0x19: {  	v5 =	vsel vm0, $0xFFFFFFFF, v5  }
0x1a: {  	v6 =	vsel vm1, v2, v3;
	v3 =	vnsel vm0, $0xBF800000, v3;
	[tilespmem:$0x1FFB0] =	vst v5;
	v5 =	vld.idx.msk [tilespmem:v1+s15+$0xFFFFF4C0 ss:$0x1], $0xffff  }
0x1b: {  	vm14 =	vgt.f32 v4, v6;
	v2 =	vsel vm1, v3, v2  }
0x1c: {  	vm1 =	vmneg vm14;
	vm15 =	vgt.f32 v4, v2  }
0x1d: {  	vm13 =	vmand vm1, vm15  }
0x1e: {  	v3 =	vld.idx.msk [tilespmem:v1+s15+$0xFFFFF700 ss:$0x1], $0xffff;
	v7 =	vsel vm1, v6, v4;
	v2 =	vsel vm13, v4, v2  }
0x1f: {  	v2 =	vsel vm1, v2, v6;
	vm4 =	vgt.f32 v5, v7  }
0x20: {  	vm5 =	vgt.f32 v5, v2;
	vm6 =	vmneg vm4  }
0x21: {  	vm11 =	vmand vm6, vm5  }
0x22: {  	v4 =	vld.idx.msk [tilespmem:v1+s15+$0xFFFFF940 ss:$0x1], $0xffff;
	v52 =	vsel vm6, v7, v5;
	v2 =	vsel vm11, v5, v2  }
0x23: {  	vm7 =	vgt.f32 v3, v52;
	v2 =	vsel vm6, v2, v7  }
0x24: {  	vm7 =	vmneg vm7;
	vm8 =	vgt.f32 v3, v2  }
0x25: {  	vm14 =	vmand vm7, vm8  }
0x26: {  	v5 =	vsel vm7, v52, v3;
	v2 =	vsel vm14, v3, v2  }
0x27: {  	v53 =	vld.idx.msk [tilespmem:v1+s15+$0xFFFFFB80 ss:$0x1], $0xffff;
	vm9 =	vgt.f32 v4, v5;
	v2 =	vsel vm7, v2, v52  }
0x28: {  	vm2 =	vmneg vm9;
	vm10 =	vgt.f32 v4, v2  }
0x29: {  	v3 =	vimm.s32 $0x0;
	vm0 =	vmand vm2, vm10  }
0x2a: {  	v3 =	vsel vm0, $0xFFFFFFFF, v3  }
0x2b: {  	v54 =	vsel vm2, v5, v4;
	v2 =	vsel vm0, v4, v2;
	[tilespmem:$0x1FFD0] =	vst v3;
	v3 =	vld.idx.msk [tilespmem:v1+s15+$0xFFFFFDC0 ss:$0x1], $0xffff  }
0x2c: {  	vm12 =	vgt.f32 v53, v54;
	v2 =	vsel vm2, v2, v5  }
0x2d: {  	vm4 =	vmneg vm12;
	vm15 =	vgt.f32 v53, v2  }
0x2e: {  	vm15 =	vmand vm4, vm15  }
0x2f: {  	v4 =	vld.idx.msk [tilespmem:v1+s15+$0x0 ss:$0x1], $0xffff;
	v5 =	vsel vm4, v54, v53;
	v2 =	vsel vm15, v53, v2  }
0x30: {  	v2 =	vsel vm4, v2, v54;
	vm5 =	vgt.f32 v3, v5  }
0x31: {  	vm3 =	vgt.f32 v3, v2;
	vm10 =	vmneg vm5  }
0x32: {  	vm0 =	vmand vm10, vm3  }
0x33: {  	v56 =	vld.idx.msk [tilespmem:v1+s15+$0x240 ss:$0x1], $0xffff;
	v57 =	vsel vm10, v5, v3;
	v2 =	vsel vm0, v3, v2  }
0x34: {  	vm8 =	vgt.f32 v4, v57;
	v2 =	vsel vm10, v2, v5  }
0x35: {  	vm3 =	vmneg vm8;
	vm5 =	vgt.f32 v4, v2  }
0x36: {  	vm12 =	vmand vm3, vm5  }
0x37: {  	v5 =	vsel vm3, v57, v4;
	v2 =	vsel vm12, v4, v2  }
0x38: {  	v55 =	vimm.s32 $0x0;
	vm9 =	vgt.f32 v56, v5;
	v2 =	vsel vm3, v2, v57  }
0x39: {  	v6 =	vsel vm0, $0xFFFFFFFF, v55;
	v3 =	vld.idx.msk [tilespmem:v1+s15+$0x480 ss:$0x1], $0xffff;
	vm8 =	vmneg vm9;
	vm0 =	vgt.f32 v56, v2  }
0x3a: {  	vm5 =	vmand vm8, vm0  }
0x3b: {  	v2 =	vsel vm5, v56, v2  }
0x3c: {  	v4 =	vimm.s32 $0x0;
	v58 =	vsel vm8, v5, v56;
	v2 =	vsel vm8, v2, v5;
	v5 =	vld [tilespmem:$0x1FFB0]  }
0x3d: {  	v59 =	vld [tilespmem:$0x1FFC0];
	v4 =	vsel vm5, $0xFFFFFFFF, v4  }
0x3e: {  	vm9 =	vgt.f32 v3, v58;
	[tilespmem:$0x1FFF0] =	vst v4;
	v4 =	vld.idx.msk [tilespmem:v1+s15+$0x6C0 ss:$0x1], $0xffff  }
0x3f: {  	vm9 =	vmneg vm9;
	vm5 =	vgt.f32 v3, v2  }
0x40: {  	vm5 =	vmand vm9, vm5  }
0x41: {  	v2 =	vsel vm5, v3, v2;
	vm0 =	vnez.u8 v5  }
0x42: {  	v8 =	vld.idx.msk [tilespmem:v1+s15+$0x900 ss:$0x1], $0xffff;
	v3 =	vsel vm9, v58, v3;
	v5 =	vsel vm0, $0x1, v0;
	vm0 =	vnez.u8 v59  }
0x43: {  	[tilespmem:$0x1FFE0] =	vst v6;
	v6 =	vsel vm0, $0x1, v0;
	v5 =	vsel vm13, $0x2, v5;
	vm0 =	vgt.f32 v4, v3  }
0x44: {  	v9 =	vld [tilespmem:$0x1FFD0];
	v2 =	vsel vm9, v2, v58;
	v5 =	vsel vm1, v5, v6;
	vm13 =	vmneg vm0  }
0x45: {  	vm0 =	vgt.f32 v4, v2;
	v6 =	vnsel vm1, $0x2, v6;
	v5 =	vsel vm11, $0x3, v5  }
0x46: {  	vm1 =	vmand vm13, vm0;
	v60 =	vsel vm13, v3, v4;
	v5 =	vsel vm6, v5, v6  }
0x47: {  	v2 =	vsel vm1, v4, v2;
	v4 =	vld.idx.msk [tilespmem:v1+s15+$0xB40 ss:$0x1], $0xffff;
	v6 =	vnsel vm6, $0x3, v6;
	vm6 =	vgt.f32 v8, v60  }
0x48: {  	v2 =	vsel vm13, v2, v3;
	v3 =	vsel vm14, $0x4, v5;
	vm6 =	vmneg vm6  }
0x49: {  	vm14 =	vnez.u8 v9;
	vm11 =	vgt.f32 v8, v2;
	v3 =	vsel vm7, v3, v6  }
0x4a: {  	v61 =	vld.idx.msk [tilespmem:v1+s15+$0xD80 ss:$0x1], $0xffff;
	v5 =	vnsel vm7, $0x4, v6;
	vm11 =	vmand vm6, vm11;
	v3 =	vsel vm14, $0x5, v3  }
0x4b: {  	v63 =	vld [tilespmem:$0x1FFE0];
	v2 =	vsel vm11, v8, v2;
	v8 =	vsel vm6, v60, v8;
	v3 =	vsel vm2, v3, v5  }
0x4c: {  	v5 =	vnsel vm2, $0x5, v5;
	vm7 =	vgt.f32 v4, v8;
	v2 =	vsel vm6, v2, v60  }
0x4d: {  	v3 =	vsel vm15, $0x6, v3;
	vm7 =	vmneg vm7;
	vm14 =	vgt.f32 v4, v2  }
0x4e: {  	v3 =	vsel vm4, v3, v5;
	vm2 =	vmand vm7, vm14  }
0x4f: {  	v5 =	vnsel vm4, $0x6, v5;
	v2 =	vsel vm2, v4, v2;
	v4 =	vsel vm7, v8, v4  }
0x50: {  	vm14 =	vnez.u8 v63;
	v2 =	vsel vm7, v2, v8;
	vm15 =	vgt.f32 v61, v4  }
0x51: {  	v3 =	vsel vm14, $0x7, v3;
	vm4 =	vmneg vm15;
	vm15 =	vgt.f32 v61, v2  }
0x52: {  	v62 =	vld.idx.msk [tilespmem:v1+s15+$0xFC0 ss:$0x1], $0xffff;
	v3 =	vsel vm10, v3, v5;
	v5 =	vnsel vm10, $0x7, v5;
	vm0 =	vmand vm4, vm15  }
0x53: {  	v3 =	vsel vm12, $0x8, v3;
	v6 =	vsel vm4, v4, v61;
	v2 =	vsel vm0, v61, v2  }
0x54: {  	v3 =	vsel vm3, v3, v5;
	v2 =	vsel vm4, v2, v4;
	v4 =	vnsel vm3, $0x8, v5;
	v5 =	vld [tilespmem:$0x1FFF0];
	_ =	sdelay $0x2  }
0x55: {  	vm12 =	vgt.f32 v62, v6  }
0x56: {  	vm10 =	vmneg vm12;
	vm12 =	vgt.f32 v62, v2  }
0x57: {  	vm15 =	vmand vm10, vm12;
	vm14 =	vnez.u8 v5  }
0x58: {  	v2 =	vsel vm15, v62, v2;
	v3 =	vsel vm14, $0x9, v3  }
0x59: {  	v2 =	vsel vm10, v2, v6;
	v3 =	vsel vm8, v3, v4  }
0x5a: {  	v5 =	vsel vm10, v6, v62;
	v4 =	vnsel vm8, $0x9, v4;
	v3 =	vsel vm5, $0xA, v3  }
0x5b: {  	v6 =	vadd.f32 v2, v5;
	v3 =	vsel vm9, v3, v4  }
0x5c: {  	v4 =	vnsel vm9, $0xA, v4;
	v3 =	vsel vm1, $0xB, v3  }
0x5d: {  	(erf) = vrcp.f32 v6;
	v3 =	vsel vm13, v3, v4  }
0x5e: {  	v4 =	vnsel vm13, $0xB, v4;
	v3 =	vsel vm11, $0xC, v3  }
0x5f: {  	v3 =	vsel vm6, v3, v4  }
0x60: {  	v4 =	vnsel vm6, $0xC, v4;
	v3 =	vsel vm2, $0xD, v3  }
0x61: {  	v3 =	vsel vm7, v3, v4  }
0x62: {  	v4 =	vnsel vm7, $0xD, v4;
	v3 =	vsel vm0, $0xE, v3  }
0x63: {  	v3 =	vsel vm4, v3, v4  }
0x64: {  	v4 =	vnsel vm4, $0xE, v4;
	v3 =	vsel vm15, $0xF, v3  }
0x65: {  	v3 =	vsel vm10, v3, v4  }
0x66: {  	v6 =	vpop (erf);
	v4 =	vnsel vm10, $0xF, v4;
	[tilespmem:s15+$0x2610] =	vst v3  }
0x67: {  	s16 =	simm.s32 $0x40;
	v2 =	vmul.f32 v6, v2;
	[tilespmem:s15+$0x2580] =	vst v4;
	v3 =	vmul.f32 v6, v5  }
.LBB2_2:
0x68: {  	p0 =	sne.s32 s16, $0x200;
	s17 =	smov.u32 s16;
	s16 =	sadd.s32 $0x40, s16  }
0x69: {  	[tilespmem:s15+$0x2400] =	vst v3  }
0x6a: {  	[tilespmem:s15+$0x2490] =	vst v2;
	s15 =	sshra.s32 s17, $0x2  }
0x6b: {  	v2 =	vld.idx.msk [tilespmem:v1+s15+$0xFFFFEE00 ss:$0x1], $0xffff  }
0x6c: {  	v3 =	vld.idx.msk [tilespmem:v1+s15+$0xFFFFF040 ss:$0x1], $0xffff;
	_ =	sdelay $0x2  }
0x6d: {  	v4 =	vld.idx.msk [tilespmem:v1+s15+$0xFFFFF280 ss:$0x1], $0xffff;
	_ =	sdelay $0x2  }
0x6e: {  	vm0 =	vgt.f32 v3, v2;
	vm1 =	vgt.f32 v3, $-1.000000000e+00;
	v5 =	vld.idx.msk [tilespmem:v1+s15+$0xFFFFF4C0 ss:$0x1], $0xffff  }
0x6f: {  	vm2 =	vmneg vm0  }
0x70: {  	vm1 =	vmand vm1, vm2;
	v6 =	vsel vm2, v2, v3  }
0x71: {  	v7 =	vsel vm1, $0x1, v0;
	v3 =	vnsel vm1, $0xBF800000, v3;
	vm1 =	vgt.f32 v4, v6  }
0x72: {  	v2 =	vsel vm2, v3, v2;
	vm1 =	vmneg vm1;
	v3 =	vld.idx.msk [tilespmem:v1+s15+$0xFFFFF700 ss:$0x1], $0xffff  }
0x73: {  	vm2 =	vgt.f32 v4, v2;
	v8 =	vsel vm1, v6, v4  }
0x74: {  	vm2 =	vmand vm1, vm2;
	vm3 =	vgt.f32 v5, v8  }
0x75: {  	v9 =	vsel vm0, $0x1, v0;
	v7 =	vsel vm2, $0x2, v7;
	v2 =	vsel vm2, v4, v2  }
0x76: {  	vm0 =	vmneg vm3;
	v4 =	vsel vm1, v7, v9;
	v2 =	vsel vm1, v2, v6;
	v6 =	vld.idx.msk [tilespmem:v1+s15+$0xFFFFF940 ss:$0x1], $0xffff  }
0x77: {  	v7 =	vsel vm0, v8, v5;
	vm2 =	vgt.f32 v5, v2  }
0x78: {  	vm2 =	vmand vm0, vm2;
	vm3 =	vgt.f32 v3, v7  }
0x79: {  	v4 =	vsel vm2, $0x3, v4;
	v2 =	vsel vm2, v5, v2  }
0x7a: {  	vm2 =	vmneg vm3;
	v2 =	vsel vm0, v2, v8  }
0x7b: {  	v5 =	vnsel vm1, $0x2, v9;
	v8 =	vsel vm2, v7, v3;
	vm1 =	vgt.f32 v3, v2;
	v9 =	vld.idx.msk [tilespmem:v1+s15+$0xFFFFFB80 ss:$0x1], $0xffff  }
0x7c: {  	v4 =	vsel vm0, v4, v5;
	vm1 =	vmand vm2, vm1;
	vm3 =	vgt.f32 v6, v8  }
0x7d: {  	v5 =	vnsel vm0, $0x3, v5;
	v4 =	vsel vm1, $0x4, v4;
	v2 =	vsel vm1, v3, v2  }
0x7e: {  	v3 =	vnsel vm2, $0x4, v5;
	vm0 =	vmneg vm3;
	v2 =	vsel vm2, v2, v7  }
0x7f: {  	v4 =	vsel vm2, v4, v5;
	v5 =	vnsel vm0, $0x5, v3;
	vm1 =	vgt.f32 v6, v2;
	v7 =	vld.idx.msk [tilespmem:v1+s15+$0xFFFFFDC0 ss:$0x1], $0xffff  }
0x80: {  	v10 =	vsel vm0, v8, v6;
	vm1 =	vmand vm0, vm1  }
0x81: {  	v4 =	vsel vm1, $0x5, v4;
	v2 =	vsel vm1, v6, v2;
	vm1 =	vgt.f32 v9, v10  }
0x82: {  	v3 =	vsel vm0, v4, v3;
	v2 =	vsel vm0, v2, v8;
	vm0 =	vmneg vm1;
	v4 =	vld.idx.msk [tilespmem:v1+s15+$0x0 ss:$0x1], $0xffff  }
0x83: {  	vm1 =	vgt.f32 v9, v2;
	v6 =	vnsel vm0, $0x6, v5  }
0x84: {  	v8 =	vsel vm0, v10, v9;
	vm1 =	vmand vm0, vm1  }
0x85: {  	v3 =	vsel vm1, $0x6, v3;
	v2 =	vsel vm1, v9, v2;
	vm1 =	vgt.f32 v7, v8  }
0x86: {  	v3 =	vsel vm0, v3, v5;
	v2 =	vsel vm0, v2, v10;
	vm0 =	vmneg vm1;
	v5 =	vld.idx.msk [tilespmem:v1+s15+$0x240 ss:$0x1], $0xffff  }
0x87: {  	vm1 =	vgt.f32 v7, v2;
	v9 =	vsel vm0, v8, v7  }
0x88: {  	vm1 =	vmand vm0, vm1;
	vm2 =	vgt.f32 v4, v9  }
0x89: {  	v3 =	vsel vm1, $0x7, v3;
	v2 =	vsel vm1, v7, v2  }
0x8a: {  	vm1 =	vmneg vm2;
	v3 =	vsel vm0, v3, v6;
	v2 =	vsel vm0, v2, v8;
	v7 =	vld.idx.msk [tilespmem:v1+s15+$0x480 ss:$0x1], $0xffff  }
0x8b: {  	v8 =	vsel vm1, v9, v4;
	vm2 =	vgt.f32 v4, v2  }
0x8c: {  	vm2 =	vmand vm1, vm2;
	vm3 =	vgt.f32 v5, v8  }
0x8d: {  	v3 =	vsel vm2, $0x8, v3;
	v2 =	vsel vm2, v4, v2  }
0x8e: {  	vm2 =	vmneg vm3;
	v2 =	vsel vm1, v2, v9;
	v4 =	vld.idx.msk [tilespmem:v1+s15+$0x6C0 ss:$0x1], $0xffff  }
0x8f: {  	v6 =	vnsel vm0, $0x7, v6;
	v9 =	vsel vm2, v8, v5;
	vm0 =	vgt.f32 v5, v2  }
0x90: {  	v3 =	vsel vm1, v3, v6;
	vm0 =	vmand vm2, vm0;
	vm3 =	vgt.f32 v7, v9  }
0x91: {  	v6 =	vnsel vm1, $0x8, v6;
	v3 =	vsel vm0, $0x9, v3;
	v2 =	vsel vm0, v5, v2;
	v5 =	vld.idx.msk [tilespmem:v1+s15+$0x900 ss:$0x1], $0xffff  }
0x92: {  	vm0 =	vmneg vm3;
	v3 =	vsel vm2, v3, v6;
	v2 =	vsel vm2, v2, v8  }
0x93: {  	v6 =	vnsel vm2, $0x9, v6;
	v8 =	vsel vm0, v9, v7;
	vm1 =	vgt.f32 v7, v2  }
0x94: {  	v10 =	vnsel vm0, $0xA, v6;
	vm1 =	vmand vm0, vm1;
	vm2 =	vgt.f32 v4, v8  }
0x95: {  	v3 =	vsel vm1, $0xA, v3;
	v2 =	vsel vm1, v7, v2;
	vm1 =	vmneg vm2  }
0x96: {  	v2 =	vsel vm0, v2, v9;
	v7 =	vnsel vm1, $0xB, v10;
	v9 =	vsel vm1, v8, v4  }
0x97: {  	v3 =	vsel vm0, v3, v6;
	vm0 =	vgt.f32 v4, v2;
	vm2 =	vgt.f32 v5, v9;
	v6 =	vld.idx.msk [tilespmem:v1+s15+$0xB40 ss:$0x1], $0xffff  }
0x98: {  	vm0 =	vmand vm1, vm0  }
0x99: {  	v3 =	vsel vm0, $0xB, v3;
	v2 =	vsel vm0, v4, v2  }
0x9a: {  	vm0 =	vmneg vm2;
	v3 =	vsel vm1, v3, v10;
	v2 =	vsel vm1, v2, v8;
	v4 =	vld.idx.msk [tilespmem:v1+s15+$0xD80 ss:$0x1], $0xffff  }
0x9b: {  	vm1 =	vgt.f32 v5, v2  }
0x9c: {  	v8 =	vsel vm0, v9, v5;
	vm1 =	vmand vm0, vm1  }
0x9d: {  	v3 =	vsel vm1, $0xC, v3;
	v2 =	vsel vm1, v5, v2;
	vm1 =	vgt.f32 v6, v8  }
0x9e: {  	v3 =	vsel vm0, v3, v7;
	v2 =	vsel vm0, v2, v9;
	vm1 =	vmneg vm1;
	v5 =	vld.idx.msk [tilespmem:v1+s15+$0xFC0 ss:$0x1], $0xffff  }
0x9f: {  	vm2 =	vgt.f32 v6, v2;
	v9 =	vsel vm1, v8, v6  }
0xa0: {  	vm2 =	vmand vm1, vm2;
	vm3 =	vgt.f32 v4, v9  }
0xa1: {  	v7 =	vnsel vm0, $0xC, v7;
	v3 =	vsel vm2, $0xD, v3;
	v2 =	vsel vm2, v6, v2  }
0xa2: {  	vm0 =	vmneg vm3;
	v3 =	vsel vm1, v3, v7;
	v2 =	vsel vm1, v2, v8  }
0xa3: {  	v6 =	vsel vm0, v9, v4;
	vm2 =	vgt.f32 v4, v2  }
0xa4: {  	vm2 =	vmand vm0, vm2;
	vm3 =	vgt.f32 v5, v6  }
0xa5: {  	v7 =	vnsel vm1, $0xD, v7;
	v3 =	vsel vm2, $0xE, v3;
	v2 =	vsel vm2, v4, v2  }
0xa6: {  	vm1 =	vmneg vm3;
	v3 =	vsel vm0, v3, v7;
	v2 =	vsel vm0, v2, v9  }
0xa7: {  	vm2 =	vgt.f32 v5, v2  }
0xa8: {  	v4 =	vnsel vm0, $0xE, v7;
	vm0 =	vmand vm1, vm2  }
0xa9: {  	v3 =	vsel vm0, $0xF, v3;
	v2 =	vsel vm0, v5, v2;
	v5 =	vsel vm1, v6, v5  }
0xaa: {  	v3 =	vsel vm1, v3, v4;
	v2 =	vsel vm1, v2, v6;
	v4 =	vnsel vm1, $0xF, v4  }
0xab: {  	v6 =	vadd.f32 v2, v5;
	[tilespmem:s15+$0x2610] =	vst v3  }
0xac: {  	[tilespmem:s15+$0x2580] =	vst v4  }
0xad: {  	(erf) = vrcp.f32 v6;
	_ =	sdelay $0x5  }
.Ltmp0:
0xae: {  	(pc) =	sbr.rel @p0 .LBB2_2-.Ltmp0, $3  }
0xaf: {  	_ =	sdelay $0x1  }
0xb0: {  	v4 =	vpop (erf)  }
0xb1: {  	v3 =	vmul.f32 v4, v5;
	v2 =	vmul.f32 v4, v2  }
0xb2: {  	_ = 	snop  }
0xb3: {  	[tilespmem:s15+$0x2400] =	vst v3  }
0xb4: {  	[tilespmem:s15+$0x2490] =	vst v2  }
0xb5: {  	[hbm4b:s4+s2] =	stream.linear.scatter [tilespmem:s10], [sflag:$0x1], $0x90, $0x38;
	[tilespmem:$0x2700] =	vst v63  }
0xb6: {  	_ =	swait.ge [sflag:s9], $0x90  }
0xb7: {  	[sflag:s9] =	ssyncset.done $0x0  }
0xb8: {  	[sflag:s9] =	ssyncadd.s32 $0xFFFFFF70  }
0xb9: {  	[hbm4b:s5+s2] =	stream.linear.scatter [tilespmem:s11], [sflag:$0x1], $0x90, $0x38;
	[tilespmem:$0x2700] =	vst v63  }
0xba: {  	_ =	swait.ge [sflag:s9], $0x90  }
0xbb: {  	[sflag:s9] =	ssyncset.done $0x0  }
0xbc: {  	[sflag:s9] =	ssyncadd.s32 $0xFFFFFF70  }
0xbd: {  	[hbm4b:s6+s2] =	stream.linear.scatter [tilespmem:s12], [sflag:$0x1], $0x90, $0x38;
	[tilespmem:$0x2700] =	vst v63  }
0xbe: {  	s14 =	sadd.s32 $0x1, s14;
	_ =	swait.ge [sflag:s9], $0x90  }
0xbf: {  	p0 =	sne.s32 s14, s8;
	[sflag:s9] =	ssyncset.done $0x0  }
.Ltmp1:
0xc0: {  	[sflag:s9] =	ssyncadd.s32 $0xFFFFFF70;
	(pc) =	sbr.rel @p0 .LBB2_1-.Ltmp1, $4  }
0xc1: {  	[hbm4b:s7+s2] =	stream.linear.scatter [tilespmem:s13], [sflag:$0x1], $0x90, $0x38;
	[tilespmem:$0x2700] =	vst v63  }
0xc2: {  	_ =	swait.ge [sflag:s9], $0x90  }
0xc3: {  	[sflag:s9] =	ssyncset.done $0x0  }
0xc4: {  	[sflag:s9] =	ssyncadd.s32 $0xFFFFFF70  }
0xc5: {  	_ =	sfence.sel $0x180000  }
0xc6: {  	[bflag:$0x0] =	sbarrier.arrive $0xFFFF  }
0xc7: {  	p0 =	sne.s32 s1, $0x0;
	_ =	strace $0x90000047  }
0xc8: {  	s0 =	sadd.s32 @!p0 $0x100000, s0;
	[bflag:$0x2] =	sbarrier.arrive $0xFFFF  }
0xc9: {  	[sflag:s0] =	ssyncadd.tile.s32 @!p0 $0x1;
	_ =	shalt  }
.Lfunc_end2:
_tile_overlayer_lowered:
.L_overlay_start_2:
0xca: {  	(tag) =	ssettag $0x2  }
0xcb: {  	s0 =	rddreg [dreg:$0x0];
	s2 =	stileid.u32  }
0xcc: {  	s1 =	rddreg [dreg:$0x1];
	p0 =	sne.s32 s2, $0x0  }
0xcd: {  	s3 =	rddreg [dreg:$0x2];
	[bflag:$0x3] =	sbarrier.arrive $0xFFFF;
	s2 =	simm.s32 @!p0 $0x1C01  }
0xce: {  	[timem:s3], [sflag:s2] =	dma.local @!p0 [hbm:s0], s1  }
0xcf: {  	s0 =	simm.s32 @!p0 $0x1  }
0xd0: {  	_ =	swait.ge @!p0 [sflag:s0], s1  }
0xd1: {  	s1 =	ssub.s32 @!p0 $0x0, s1;
	[sflag:s0] =	ssyncset.done @!p0 $0x0  }
0xd2: {  	[sflag:s0] =	ssyncadd.s32 @!p0 s1  }
0xd3: {  	[bflag:$0x3] =	sbarrier.arrive $0xFFFF  }
0xd4: {  	_ =	shalt  }

</sc_bundles>
